<compile_context>
chip_gen: v7x
topology: tpu7x:2x2x1
jax: 0.10.2.dev20260603
libtpu: 0.0.44.dev20260713+nightly
codegen_flags: <defaults>
</compile_context>

<pallas_src>
import functools

import jax
import jax.numpy as jnp
from jax import lax
from jax.experimental import pallas as pl
from jax.experimental.pallas import tpu as pltpu
from jax.experimental.pallas import tpu_sc as plsc

N_TOK = 32768
DIM = 192
M = 4096

NC = 2
NS = 16
NW = NC * NS
SPW = M // NW
CHUNK = 128
NJ = DIM // 16
NB = M + 1

_mesh = plsc.VectorSubcoreMesh(core_axis_name="c", subcore_axis_name="s")


def _sread(ref, i):
    return ref[pl.ds(i, 16)][0]


@functools.partial(
    pl.kernel,
    mesh=_mesh,
    out_type=jax.ShapeDtypeStruct((M, DIM), jnp.float32),
    scratch_types=[
        pltpu.VMEM((NB + 31,), jnp.int32),
        pltpu.VMEM((2, CHUNK, DIM), jnp.float32),
        pltpu.VMEM((SPW, DIM), jnp.float32),
        pltpu.VMEM((SPW + 16,), jnp.float32),
        pltpu.SemaphoreType.DMA,
        pltpu.SemaphoreType.DMA,
    ],
)
def _seg_mean(enc_hbm, bnd_hbm, out_hbm, bnd_v, buf_v, acc_v, inv_v, sem0, sem1):
    wid = lax.axis_index("s") * NC + lax.axis_index("c")
    base = wid * SPW
    pltpu.sync_copy(bnd_hbm, bnd_v.at[pl.ds(0, NB)])

    zero = jnp.zeros((16,), jnp.float32)
    one = jnp.full((16,), 1.0, jnp.float32)

    def inv_body(k, carry):
        a = bnd_v[pl.ds(base + k * 16, 16)]
        b = bnd_v[pl.ds(base + k * 16 + 1, 16)]
        cnt = (b - a).astype(jnp.float32)
        inv_v[pl.ds(k * 16, 16)] = one / jnp.maximum(cnt, one)
        return carry

    lax.fori_loop(0, SPW // 16, inv_body, 0)

    s0 = _sread(bnd_v, base)
    cs0 = jnp.minimum((s0 // 8) * 8, N_TOK - CHUNK)
    c1 = jnp.minimum(cs0 + CHUNK, N_TOK - CHUNK)
    first = pltpu.async_copy(
        enc_hbm.at[pl.ds(pl.multiple_of(cs0, 8), CHUNK)], buf_v.at[0], sem0
    )
    pltpu.async_copy(
        enc_hbm.at[pl.ds(pl.multiple_of(c1, 8), CHUNK)], buf_v.at[1], sem1
    )
    first.wait()

    def process_span(g_lo, g_hi, cs, par, accs):
        def row_body(g, a):
            local = g - cs
            return tuple(
                a[j] + buf_v[par, local, pl.ds(j * 16, 16)] for j in range(NJ)
            )

        return lax.fori_loop(g_lo, g_hi, row_body, accs)

    def advance(cs, par):
        new_cs = jnp.minimum(cs + CHUNK, N_TOK - CHUNK)
        new_par = 1 - par
        nxt = pl.multiple_of(jnp.minimum(new_cs + CHUNK, N_TOK - CHUNK), 8)

        @pl.when(new_par == 0)
        def _():
            pltpu.make_async_copy(
                enc_hbm.at[pl.ds(0, CHUNK)], buf_v.at[0], sem0
            ).wait()
            pltpu.async_copy(enc_hbm.at[pl.ds(nxt, CHUNK)], buf_v.at[1], sem1)

        @pl.when(new_par == 1)
        def _():
            pltpu.make_async_copy(
                enc_hbm.at[pl.ds(0, CHUNK)], buf_v.at[1], sem1
            ).wait()
            pltpu.async_copy(enc_hbm.at[pl.ds(nxt, CHUNK)], buf_v.at[0], sem0)

        return new_cs, new_par

    def seg_body(i, carry):
        cs, par, s = carry
        e = _sread(bnd_v, base + i + 1)
        n_loads = jnp.maximum(0, (e - cs - 1) // CHUNK)
        hi = jnp.minimum(e, cs + CHUNK)
        accs = process_span(jnp.maximum(s, cs), hi, cs, par, (zero,) * NJ)

        def load_body(t, c2):
            cs2, par2, g2 = c2[0], c2[1], c2[2]
            cs2, par2 = advance(cs2, par2)
            hi2 = jnp.minimum(e, cs2 + CHUNK)
            accs2 = process_span(g2, hi2, cs2, par2, c2[3:])
            return (cs2, par2, hi2) + accs2

        res = lax.fori_loop(0, n_loads, load_body, (cs, par, hi) + accs)
        cs, par, accs = res[0], res[1], res[3:]

        invv = jnp.full((16,), inv_v[pl.ds(i, 16)][0], jnp.float32)
        for j in range(NJ):
            acc_v[i, pl.ds(j * 16, 16)] = accs[j] * invv
        return (cs, par, e)

    end_cs, end_par, _ = lax.fori_loop(0, SPW, seg_body, (cs0, jnp.int32(0), s0))

    @pl.when(end_par == 0)
    def _():
        pltpu.make_async_copy(
            enc_hbm.at[pl.ds(0, CHUNK)], buf_v.at[1], sem1
        ).wait()

    @pl.when(end_par == 1)
    def _():
        pltpu.make_async_copy(
            enc_hbm.at[pl.ds(0, CHUNK)], buf_v.at[0], sem0
        ).wait()

    pltpu.sync_copy(acc_v, out_hbm.at[pl.ds(base, SPW)])


def kernel(enc_seq, boundaries):
    return _seg_mean(enc_seq, boundaries.astype(jnp.int32))

# --- scband reference (transcript-rebuilt; emitter-appended) ---
"""Pipeline reference for scband-base-model-69355131896059 (READ-ONLY COPY).

The authoritative reference and input builder live on the scoring server;
editing this copy changes nothing except your own understanding.
"""

import jax, jax.numpy as jnp
import numpy as np

N_TOK = 32768
DIM = 192
M = 4096

def setup_inputs(seed: int = 0) -> dict:
    key = jax.random.key(seed)
    k1, k2 = jax.random.split(key)
    enc_seq = jax.random.normal(k1, (N_TOK, DIM), dtype=jnp.float32)
    boundaries = jnp.sort(jax.random.randint(k2, (M + 1,), 0, N_TOK))
    return {"enc_seq": enc_seq, "boundaries": boundaries}

def reference(enc_seq, boundaries):
    # Faithful JAX version of BaseModel.merge_tokens(type='mean'):
    # mention[i] = mean(enc_seq[start_i:end_i, :]) where start_i = boundaries[i], end_i = boundaries[i+1].
    # Implemented as a segment reduce (segment_sum) over tokens, which is mathematically
    # identical to the per-span torch.mean (empty spans guarded to 0 instead of NaN).
    n_tok = enc_seq.shape[0]
    m = boundaries.shape[0] - 1
    token_ids = jnp.arange(n_tok)
    seg = jnp.clip(jnp.searchsorted(boundaries, token_ids, side='right') - 1, 0, m - 1)
    valid = (token_ids >= boundaries[0]) & (token_ids < boundaries[-1])
    data = enc_seq * valid[:, None].astype(enc_seq.dtype)
    seg_sum = jax.ops.segment_sum(data, seg, num_segments=m)
    counts = jax.ops.segment_sum(valid.astype(enc_seq.dtype), seg, num_segments=m)
    mentions = seg_sum / jnp.maximum(counts, 1.0)[:, None]
    return mentions

if __name__ == "__main__":
    import jax
    _d = setup_inputs()
    print(jax.jit(kernel)(*tuple(_d.values())))

</pallas_src>

<mosaic_0001>
#map = affine_map<(d0, d1) -> (0, 0)>
#map1 = affine_map<(d0, d1) -> (0)>
module attributes {stable_mosaic.version = 14 : i64} {
  func.func @_seg_mean(%arg0: i32, %arg1: i32, %arg2: memref<32768x192xf32, #tpu.memory_space<hbm>>, %arg3: memref<4097xi32, #tpu.memory_space<hbm>>, %arg4: memref<4096x192xf32, #tpu.memory_space<hbm>>, %arg5: memref<4128xi32, #tpu.memory_space<vmem>>, %arg6: memref<2x128x192xf32, #tpu.memory_space<vmem>>, %arg7: memref<128x192xf32, #tpu.memory_space<vmem>>, %arg8: memref<144xf32, #tpu.memory_space<vmem>>, %arg9: memref<!tpu.dma_semaphore, #tpu.memory_space<semaphore_mem>>, %arg10: memref<!tpu.dma_semaphore, #tpu.memory_space<semaphore_mem>>) attributes {dimension_semantics = [#tpu.dimension_semantics<core_parallel>, #tpu.dimension_semantics<subcore_parallel>], iteration_bounds = array<i64: 2, 16>, scalar_prefetch = 0 : i64, scratch_operands = 6 : i64, tpu.core_type = #tpu.core_type<sc_vector_subcore>, window_params = [{transform_indices = #map}, {transform_indices = #map1}, {transform_indices = #map}]} {
    %mul3A = arith.constant 2 : i32
    %mul3A_0 = arith.muli %arg1, %mul3A : i32
    %add3A = arith.addi %mul3A_0, %arg0 : i32
    %mul3A_1 = arith.constant 128 : i32
    %mul3A_2 = arith.muli %add3A, %mul3A_1 : i32
    "tpu.region"() ({
      %run_scoped3A = tpu.sem_alloc : memref<!tpu.dma_semaphore, #tpu.memory_space<semaphore_mem>>
      %dma_start3A_88 = arith.constant 0 : i32
      %dma_start3A_89 = tpu.memref_slice %arg5[%dma_start3A_88] : memref<4128xi32, #tpu.memory_space<vmem>> -> memref<4097xi32, #tpu.memory_space<vmem>>
      %dma_start3A_90 = arith.constant 0 : i32
      %dma_start3A_91 = tpu.memref_slice %arg5[%dma_start3A_90] : memref<4128xi32, #tpu.memory_space<vmem>> -> memref<4097xi32, #tpu.memory_space<vmem>>
      tpu.enqueue_dma source(%arg3 : memref<4097xi32, #tpu.memory_space<hbm>>) target(%dma_start3A_91 : memref<4097xi32, #tpu.memory_space<vmem>>) target_semaphore(%run_scoped3A : memref<!tpu.dma_semaphore, #tpu.memory_space<semaphore_mem>>)
      %dma_wait3A_92 = arith.constant 0 : i32
      %dma_wait3A_93 = tpu.memref_slice %arg5[%dma_wait3A_92] : memref<4128xi32, #tpu.memory_space<vmem>> -> memref<4097xi32, #tpu.memory_space<vmem>>
      %dma_wait3A_94 = arith.constant 0 : i32
      %dma_wait3A_95 = tpu.memref_slice %arg5[%dma_wait3A_94] : memref<4128xi32, #tpu.memory_space<vmem>> -> memref<4097xi32, #tpu.memory_space<vmem>>
      tpu.wait_dma2 semaphore(%run_scoped3A : memref<!tpu.dma_semaphore, #tpu.memory_space<semaphore_mem>>) src(%arg3 : memref<4097xi32, #tpu.memory_space<hbm>>) dst(%dma_wait3A_95 : memref<4097xi32, #tpu.memory_space<vmem>>)
      tpu.yield
    }) : () -> ()
    %broadcast_in_dim3A = arith.constant 0.000000e+00 : f32
    %broadcast_in_dim3A_3 = vector.broadcast %broadcast_in_dim3A : f32 to vector<16xf32>
    %broadcast_in_dim3A_4 = arith.constant 1.000000e+00 : f32
    %broadcast_in_dim3A_5 = vector.broadcast %broadcast_in_dim3A_4 : f32 to vector<16xf32>
    %scan3A = arith.constant 0 : i32
    %scan3A_6 = arith.constant 0 : i32
    %scan3A_7 = arith.constant 8 : i32
    %scan3A_8 = arith.addi %scan3A_6, %scan3A_7 : i32
    %scan3A_9 = arith.constant 1 : i32
    scf.for %scan3A_88 = %scan3A_6 to %scan3A_8 step %scan3A_9  : i32 {
      %mul3A_89 = arith.constant 16 : i32
      %mul3A_90 = arith.muli %scan3A_88, %mul3A_89 : i32
      %add3A_91 = arith.addi %mul3A_2, %mul3A_90 : i32
      %get3A_92 = arith.index_cast %add3A_91 : i32 to index
      %get3A_93 = tpu.vector_load %arg5[%get3A_92] {strides = array<i32>} : memref<4128xi32, #tpu.memory_space<vmem>>, vector<16xi32>,
      %get3A_94 = vector.shape_cast %get3A_93 : vector<16xi32> to vector<16xi32>
      %mul3A_95 = arith.constant 16 : i32
      %mul3A_96 = arith.muli %scan3A_88, %mul3A_95 : i32
      %add3A_97 = arith.addi %mul3A_2, %mul3A_96 : i32
      %add3A_98 = arith.constant 1 : i32
      %add3A_99 = arith.addi %add3A_97, %add3A_98 : i32
      %get3A_100 = arith.index_cast %add3A_99 : i32 to index
      %get3A_101 = tpu.vector_load %arg5[%get3A_100] {strides = array<i32>} : memref<4128xi32, #tpu.memory_space<vmem>>, vector<16xi32>,
      %get3A_102 = vector.shape_cast %get3A_101 : vector<16xi32> to vector<16xi32>
      %sub3A_103 = arith.subi %get3A_102, %get3A_94 : vector<16xi32>
      %convert_element_type3A_104 = arith.sitofp %sub3A_103 : vector<16xi32> to vector<16xf32>
      %max3A = arith.maximumf %convert_element_type3A_104, %broadcast_in_dim3A_5 : vector<16xf32>
      %div3A_105 = arith.divf %broadcast_in_dim3A_5, %max3A : vector<16xf32>
      %mul3A_106 = arith.constant 16 : i32
      %mul3A_107 = arith.muli %scan3A_88, %mul3A_106 : i32
      %swap3A = arith.index_cast %mul3A_107 : i32 to index
      %swap3A_108 = tpu.vector_load %arg8[%swap3A] {strides = array<i32>} : memref<144xf32, #tpu.memory_space<vmem>>, vector<16xf32>,
      %swap3A_109 = vector.shape_cast %swap3A_108 : vector<16xf32> to vector<16xf32>
      %swap3A_110 = vector.shape_cast %div3A_105 : vector<16xf32> to vector<16xf32>
      tpu.vector_store %arg8[%swap3A], %swap3A_110 {strides = array<i32>} : memref<144xf32, #tpu.memory_space<vmem>>, vector<16xf32>,
    }
    %scan3A_10 = arith.constant 8 : i32
    %get3A = arith.index_cast %mul3A_2 : i32 to index
    %get3A_11 = tpu.vector_load %arg5[%get3A] {strides = array<i32>} : memref<4128xi32, #tpu.memory_space<vmem>>, vector<16xi32>,
    %get3A_12 = vector.shape_cast %get3A_11 : vector<16xi32> to vector<16xi32>
    %slice3A = vector.extract_strided_slice %get3A_12 {offsets = [0], sizes = [1], strides = [1]} : vector<16xi32> to vector<1xi32>
    %squeeze3A = vector.extract %slice3A[0] : i32 from vector<1xi32>
    %jit3A = arith.constant 8 : i32
    %div3A = arith.divsi %squeeze3A, %jit3A : i32
    %sign3A = arith.constant 0 : i32
    %sign3A_13 = arith.cmpi sgt, %squeeze3A, %sign3A : i32
    %sign3A_14 = arith.extui %sign3A_13 : i1 to i32
    %sign3A_15 = arith.constant 0 : i32
    %sign3A_16 = arith.cmpi slt, %squeeze3A, %sign3A_15 : i32
    %sign3A_17 = arith.extui %sign3A_16 : i1 to i32
    %sign3A_18 = arith.subi %sign3A_14, %sign3A_17 : i32
    %sign3A_19 = arith.constant 0 : i32
    %sign3A_20 = arith.cmpi sgt, %jit3A, %sign3A_19 : i32
    %sign3A_21 = arith.extui %sign3A_20 : i1 to i32
    %sign3A_22 = arith.constant 0 : i32
    %sign3A_23 = arith.cmpi slt, %jit3A, %sign3A_22 : i32
    %sign3A_24 = arith.extui %sign3A_23 : i1 to i32
    %sign3A_25 = arith.subi %sign3A_21, %sign3A_24 : i32
    %ne3A = arith.cmpi ne, %sign3A_18, %sign3A_25 : i32
    %rem3A = arith.remsi %squeeze3A, %jit3A : i32
    %ne3A_26 = arith.constant 0 : i32
    %ne3A_27 = arith.cmpi ne, %rem3A, %ne3A_26 : i32
    %and3A = arith.andi %ne3A, %ne3A_27 : i1
    %sub3A = arith.constant 1 : i32
    %sub3A_28 = arith.subi %div3A, %sub3A : i32
    %select_n3A = arith.select %and3A, %sub3A_28, %div3A : i32
    %mul3A_29 = arith.constant 8 : i32
    %mul3A_30 = arith.muli %select_n3A, %mul3A_29 : i32
    %min3A = arith.constant 32640 : i32
    %min3A_31 = arith.minsi %mul3A_30, %min3A : i32
    %add3A_32 = arith.constant 128 : i32
    %add3A_33 = arith.addi %min3A_31, %add3A_32 : i32
    %min3A_34 = arith.constant 32640 : i32
    %min3A_35 = arith.minsi %add3A_33, %min3A_34 : i32
    %multiple_of3A = tpu.assume_multiple %min3A_31, 8 : i32
    %dma_start3A = arith.constant 0 : i32
    %dma_start3A_36 = arith.constant 0 : i32
    %dma_start3A_37 = arith.constant 0 : i32
    %dma_start3A_38 = tpu.memref_slice %arg6[%dma_start3A, %dma_start3A_36, %dma_start3A_37] : memref<2x128x192xf32, #tpu.memory_space<vmem>> -> memref<1x128x192xf32, #tpu.memory_space<vmem>>
    %dma_start3A_39 = tpu.memref_squeeze %dma_start3A_38 : memref<1x128x192xf32, #tpu.memory_space<vmem>> -> memref<128x192xf32, #tpu.memory_space<vmem>>
    %dma_start3A_40 = arith.constant 0 : i32
    %dma_start3A_41 = tpu.memref_slice %arg2[%multiple_of3A, %dma_start3A_40] : memref<32768x192xf32, #tpu.memory_space<hbm>> -> memref<128x192xf32, #tpu.memory_space<hbm>>
    %dma_start3A_42 = arith.constant 0 : i32
    %dma_start3A_43 = arith.constant 0 : i32
    %dma_start3A_44 = tpu.memref_slice %arg6[%dma_start3A, %dma_start3A_42, %dma_start3A_43] : memref<2x128x192xf32, #tpu.memory_space<vmem>> -> memref<1x128x192xf32, #tpu.memory_space<vmem>>
    %dma_start3A_45 = tpu.memref_squeeze %dma_start3A_44 : memref<1x128x192xf32, #tpu.memory_space<vmem>> -> memref<128x192xf32, #tpu.memory_space<vmem>>
    %dma_start3A_46 = arith.constant 0 : i32
    %dma_start3A_47 = tpu.memref_slice %arg2[%multiple_of3A, %dma_start3A_46] : memref<32768x192xf32, #tpu.memory_space<hbm>> -> memref<128x192xf32, #tpu.memory_space<hbm>>
    tpu.enqueue_dma source(%dma_start3A_47 : memref<128x192xf32, #tpu.memory_space<hbm>>) target(%dma_start3A_45 : memref<128x192xf32, #tpu.memory_space<vmem>>) target_semaphore(%arg9 : memref<!tpu.dma_semaphore, #tpu.memory_space<semaphore_mem>>)
    %multiple_of3A_48 = tpu.assume_multiple %min3A_35, 8 : i32
    %dma_start3A_49 = arith.constant 1 : i32
    %dma_start3A_50 = arith.constant 0 : i32
    %dma_start3A_51 = arith.constant 0 : i32
    %dma_start3A_52 = tpu.memref_slice %arg6[%dma_start3A_49, %dma_start3A_50, %dma_start3A_51] : memref<2x128x192xf32, #tpu.memory_space<vmem>> -> memref<1x128x192xf32, #tpu.memory_space<vmem>>
    %dma_start3A_53 = tpu.memref_squeeze %dma_start3A_52 : memref<1x128x192xf32, #tpu.memory_space<vmem>> -> memref<128x192xf32, #tpu.memory_space<vmem>>
    %dma_start3A_54 = arith.constant 0 : i32
    %dma_start3A_55 = tpu.memref_slice %arg2[%multiple_of3A_48, %dma_start3A_54] : memref<32768x192xf32, #tpu.memory_space<hbm>> -> memref<128x192xf32, #tpu.memory_space<hbm>>
    %dma_start3A_56 = arith.constant 0 : i32
    %dma_start3A_57 = arith.constant 0 : i32
    %dma_start3A_58 = tpu.memref_slice %arg6[%dma_start3A_49, %dma_start3A_56, %dma_start3A_57] : memref<2x128x192xf32, #tpu.memory_space<vmem>> -> memref<1x128x192xf32, #tpu.memory_space<vmem>>
    %dma_start3A_59 = tpu.memref_squeeze %dma_start3A_58 : memref<1x128x192xf32, #tpu.memory_space<vmem>> -> memref<128x192xf32, #tpu.memory_space<vmem>>
    %dma_start3A_60 = arith.constant 0 : i32
    %dma_start3A_61 = tpu.memref_slice %arg2[%multiple_of3A_48, %dma_start3A_60] : memref<32768x192xf32, #tpu.memory_space<hbm>> -> memref<128x192xf32, #tpu.memory_space<hbm>>
    tpu.enqueue_dma source(%dma_start3A_61 : memref<128x192xf32, #tpu.memory_space<hbm>>) target(%dma_start3A_59 : memref<128x192xf32, #tpu.memory_space<vmem>>) target_semaphore(%arg10 : memref<!tpu.dma_semaphore, #tpu.memory_space<semaphore_mem>>)
    %dma_wait3A = arith.constant 0 : i32
    %dma_wait3A_62 = arith.constant 0 : i32
    %dma_wait3A_63 = arith.constant 0 : i32
    %dma_wait3A_64 = tpu.memref_slice %arg6[%dma_wait3A, %dma_wait3A_62, %dma_wait3A_63] : memref<2x128x192xf32, #tpu.memory_space<vmem>> -> memref<1x128x192xf32, #tpu.memory_space<vmem>>
    %dma_wait3A_65 = tpu.memref_squeeze %dma_wait3A_64 : memref<1x128x192xf32, #tpu.memory_space<vmem>> -> memref<128x192xf32, #tpu.memory_space<vmem>>
    %dma_wait3A_66 = arith.constant 0 : i32
    %dma_wait3A_67 = tpu.memref_slice %arg2[%multiple_of3A, %dma_wait3A_66] : memref<32768x192xf32, #tpu.memory_space<hbm>> -> memref<128x192xf32, #tpu.memory_space<hbm>>
    %dma_wait3A_68 = arith.constant 0 : i32
    %dma_wait3A_69 = arith.constant 0 : i32
    %dma_wait3A_70 = tpu.memref_slice %arg6[%dma_wait3A, %dma_wait3A_68, %dma_wait3A_69] : memref<2x128x192xf32, #tpu.memory_space<vmem>> -> memref<1x128x192xf32, #tpu.memory_space<vmem>>
    %dma_wait3A_71 = tpu.memref_squeeze %dma_wait3A_70 : memref<1x128x192xf32, #tpu.memory_space<vmem>> -> memref<128x192xf32, #tpu.memory_space<vmem>>
    %dma_wait3A_72 = arith.constant 0 : i32
    %dma_wait3A_73 = tpu.memref_slice %arg2[%multiple_of3A, %dma_wait3A_72] : memref<32768x192xf32, #tpu.memory_space<hbm>> -> memref<128x192xf32, #tpu.memory_space<hbm>>
    tpu.wait_dma2 semaphore(%arg9 : memref<!tpu.dma_semaphore, #tpu.memory_space<semaphore_mem>>) src(%dma_wait3A_73 : memref<128x192xf32, #tpu.memory_space<hbm>>) dst(%dma_wait3A_71 : memref<128x192xf32, #tpu.memory_space<vmem>>)
    %scan3A_74 = arith.constant 0 : i32
    %scan3A_75 = arith.constant 0 : i32
    %scan3A_76 = arith.constant 128 : i32
    %scan3A_77 = arith.addi %scan3A_75, %scan3A_76 : i32
    %scan3A_78 = arith.constant 1 : i32
    %scan3A_79:3 = scf.for %scan3A_88 = %scan3A_75 to %scan3A_77 step %scan3A_78 iter_args(%scan3A_89 = %min3A_31, %scan3A_90 = %scan3A_74, %scan3A_91 = %squeeze3A) -> (i32, i32, i32)  : i32 {
      %add3A_92 = arith.addi %mul3A_2, %scan3A_88 : i32
      %add3A_93 = arith.constant 1 : i32
      %add3A_94 = arith.addi %add3A_92, %add3A_93 : i32
      %get3A_95 = arith.index_cast %add3A_94 : i32 to index
      %get3A_96 = tpu.vector_load %arg5[%get3A_95] {strides = array<i32>} : memref<4128xi32, #tpu.memory_space<vmem>>, vector<16xi32>,
      %get3A_97 = vector.shape_cast %get3A_96 : vector<16xi32> to vector<16xi32>
      %slice3A_98 = vector.extract_strided_slice %get3A_97 {offsets = [0], sizes = [1], strides = [1]} : vector<16xi32> to vector<1xi32>
      %squeeze3A_99 = vector.extract %slice3A_98[0] : i32 from vector<1xi32>
      %sub3A_100 = arith.subi %squeeze3A_99, %scan3A_89 : i32
      %sub3A_101 = arith.constant 1 : i32
      %sub3A_102 = arith.subi %sub3A_100, %sub3A_101 : i32
      %jit3A_103 = arith.constant 128 : i32
      %div3A_104 = arith.divsi %sub3A_102, %jit3A_103 : i32
      %sign3A_105 = arith.constant 0 : i32
      %sign3A_106 = arith.cmpi sgt, %sub3A_102, %sign3A_105 : i32
      %sign3A_107 = arith.extui %sign3A_106 : i1 to i32
      %sign3A_108 = arith.constant 0 : i32
      %sign3A_109 = arith.cmpi slt, %sub3A_102, %sign3A_108 : i32
      %sign3A_110 = arith.extui %sign3A_109 : i1 to i32
      %sign3A_111 = arith.subi %sign3A_107, %sign3A_110 : i32
      %sign3A_112 = arith.constant 0 : i32
      %sign3A_113 = arith.cmpi sgt, %jit3A_103, %sign3A_112 : i32
      %sign3A_114 = arith.extui %sign3A_113 : i1 to i32
      %sign3A_115 = arith.constant 0 : i32
      %sign3A_116 = arith.cmpi slt, %jit3A_103, %sign3A_115 : i32
      %sign3A_117 = arith.extui %sign3A_116 : i1 to i32
      %sign3A_118 = arith.subi %sign3A_114, %sign3A_117 : i32
      %ne3A_119 = arith.cmpi ne, %sign3A_111, %sign3A_118 : i32
      %rem3A_120 = arith.remsi %sub3A_102, %jit3A_103 : i32
      %ne3A_121 = arith.constant 0 : i32
      %ne3A_122 = arith.cmpi ne, %rem3A_120, %ne3A_121 : i32
      %and3A_123 = arith.andi %ne3A_119, %ne3A_122 : i1
      %sub3A_124 = arith.constant 1 : i32
      %sub3A_125 = arith.subi %div3A_104, %sub3A_124 : i32
      %select_n3A_126 = arith.select %and3A_123, %sub3A_125, %div3A_104 : i32
      %max3A = arith.constant 0 : i32
      %max3A_127 = arith.maxsi %max3A, %select_n3A_126 : i32
      %add3A_128 = arith.constant 128 : i32
      %add3A_129 = arith.addi %scan3A_89, %add3A_128 : i32
      %min3A_130 = arith.minsi %squeeze3A_99, %add3A_129 : i32
      %max3A_131 = arith.maxsi %scan3A_91, %scan3A_89 : i32
      %while3A = arith.subi %min3A_130, %max3A_131 : i32
      %while3A_132 = arith.addi %max3A_131, %while3A : i32
      %while3A_133 = arith.constant 1 : i32
      %while3A_134 = arith.divsi %while3A, %while3A_133 : i32
      %while3A_135 = arith.muli %while3A_134, %while3A_133 : i32
      %while3A_136 = arith.addi %max3A_131, %while3A_135 : i32
      %while3A_137 = arith.constant 1 : i32
      %while3A_138:12 = scf.for %while3A_229 = %max3A_131 to %while3A_136 step %while3A_137 iter_args(%while3A_230 = %broadcast_in_dim3A_3, %while3A_231 = %broadcast_in_dim3A_3, %while3A_232 = %broadcast_in_dim3A_3, %while3A_233 = %broadcast_in_dim3A_3, %while3A_234 = %broadcast_in_dim3A_3, %while3A_235 = %broadcast_in_dim3A_3, %while3A_236 = %broadcast_in_dim3A_3, %while3A_237 = %broadcast_in_dim3A_3, %while3A_238 = %broadcast_in_dim3A_3, %while3A_239 = %broadcast_in_dim3A_3, %while3A_240 = %broadcast_in_dim3A_3, %while3A_241 = %broadcast_in_dim3A_3) -> (vector<16xf32>, vector<16xf32>, vector<16xf32>, vector<16xf32>, vector<16xf32>, vector<16xf32>, vector<16xf32>, vector<16xf32>, vector<16xf32>, vector<16xf32>, vector<16xf32>, vector<16xf32>)  : i32 {
        %sub3A_242 = arith.subi %while3A_229, %scan3A_89 : i32
        %get3A_243 = arith.index_cast %scan3A_90 : i32 to index
        %get3A_244 = arith.index_cast %sub3A_242 : i32 to index
        %get3A_245 = arith.constant 0 : index
        %get3A_246 = tpu.vector_load %arg6[%get3A_243, %get3A_244, %get3A_245] {strides = array<i32>} : memref<2x128x192xf32, #tpu.memory_space<vmem>>, vector<1x1x16xf32>,
        %get3A_247 = vector.shape_cast %get3A_246 : vector<1x1x16xf32> to vector<16xf32>
        %add3A_248 = arith.addf %while3A_230, %get3A_247 : vector<16xf32>
        %get3A_249 = arith.index_cast %scan3A_90 : i32 to index
        %get3A_250 = arith.index_cast %sub3A_242 : i32 to index
        %get3A_251 = arith.constant 16 : index
        %get3A_252 = tpu.vector_load %arg6[%get3A_249, %get3A_250, %get3A_251] {strides = array<i32>} : memref<2x128x192xf32, #tpu.memory_space<vmem>>, vector<1x1x16xf32>,
        %get3A_253 = vector.shape_cast %get3A_252 : vector<1x1x16xf32> to vector<16xf32>
        %add3A_254 = arith.addf %while3A_231, %get3A_253 : vector<16xf32>
        %get3A_255 = arith.index_cast %scan3A_90 : i32 to index
        %get3A_256 = arith.index_cast %sub3A_242 : i32 to index
        %get3A_257 = arith.constant 32 : index
        %get3A_258 = tpu.vector_load %arg6[%get3A_255, %get3A_256, %get3A_257] {strides = array<i32>} : memref<2x128x192xf32, #tpu.memory_space<vmem>>, vector<1x1x16xf32>,
        %get3A_259 = vector.shape_cast %get3A_258 : vector<1x1x16xf32> to vector<16xf32>
        %add3A_260 = arith.addf %while3A_232, %get3A_259 : vector<16xf32>
        %get3A_261 = arith.index_cast %scan3A_90 : i32 to index
        %get3A_262 = arith.index_cast %sub3A_242 : i32 to index
        %get3A_263 = arith.constant 48 : index
        %get3A_264 = tpu.vector_load %arg6[%get3A_261, %get3A_262, %get3A_263] {strides = array<i32>} : memref<2x128x192xf32, #tpu.memory_space<vmem>>, vector<1x1x16xf32>,
        %get3A_265 = vector.shape_cast %get3A_264 : vector<1x1x16xf32> to vector<16xf32>
        %add3A_266 = arith.addf %while3A_233, %get3A_265 : vector<16xf32>
        %get3A_267 = arith.index_cast %scan3A_90 : i32 to index
        %get3A_268 = arith.index_cast %sub3A_242 : i32 to index
        %get3A_269 = arith.constant 64 : index
        %get3A_270 = tpu.vector_load %arg6[%get3A_267, %get3A_268, %get3A_269] {strides = array<i32>} : memref<2x128x192xf32, #tpu.memory_space<vmem>>, vector<1x1x16xf32>,
        %get3A_271 = vector.shape_cast %get3A_270 : vector<1x1x16xf32> to vector<16xf32>
        %add3A_272 = arith.addf %while3A_234, %get3A_271 : vector<16xf32>
        %get3A_273 = arith.index_cast %scan3A_90 : i32 to index
        %get3A_274 = arith.index_cast %sub3A_242 : i32 to index
        %get3A_275 = arith.constant 80 : index
        %get3A_276 = tpu.vector_load %arg6[%get3A_273, %get3A_274, %get3A_275] {strides = array<i32>} : memref<2x128x192xf32, #tpu.memory_space<vmem>>, vector<1x1x16xf32>,
        %get3A_277 = vector.shape_cast %get3A_276 : vector<1x1x16xf32> to vector<16xf32>
        %add3A_278 = arith.addf %while3A_235, %get3A_277 : vector<16xf32>
        %get3A_279 = arith.index_cast %scan3A_90 : i32 to index
        %get3A_280 = arith.index_cast %sub3A_242 : i32 to index
        %get3A_281 = arith.constant 96 : index
        %get3A_282 = tpu.vector_load %arg6[%get3A_279, %get3A_280, %get3A_281] {strides = array<i32>} : memref<2x128x192xf32, #tpu.memory_space<vmem>>, vector<1x1x16xf32>,
        %get3A_283 = vector.shape_cast %get3A_282 : vector<1x1x16xf32> to vector<16xf32>
        %add3A_284 = arith.addf %while3A_236, %get3A_283 : vector<16xf32>
        %get3A_285 = arith.index_cast %scan3A_90 : i32 to index
        %get3A_286 = arith.index_cast %sub3A_242 : i32 to index
        %get3A_287 = arith.constant 112 : index
        %get3A_288 = tpu.vector_load %arg6[%get3A_285, %get3A_286, %get3A_287] {strides = array<i32>} : memref<2x128x192xf32, #tpu.memory_space<vmem>>, vector<1x1x16xf32>,
        %get3A_289 = vector.shape_cast %get3A_288 : vector<1x1x16xf32> to vector<16xf32>
        %add3A_290 = arith.addf %while3A_237, %get3A_289 : vector<16xf32>
        %get3A_291 = arith.index_cast %scan3A_90 : i32 to index
        %get3A_292 = arith.index_cast %sub3A_242 : i32 to index
        %get3A_293 = arith.constant 128 : index
        %get3A_294 = tpu.vector_load %arg6[%get3A_291, %get3A_292, %get3A_293] {strides = array<i32>} : memref<2x128x192xf32, #tpu.memory_space<vmem>>, vector<1x1x16xf32>,
        %get3A_295 = vector.shape_cast %get3A_294 : vector<1x1x16xf32> to vector<16xf32>
        %add3A_296 = arith.addf %while3A_238, %get3A_295 : vector<16xf32>
        %get3A_297 = arith.index_cast %scan3A_90 : i32 to index
        %get3A_298 = arith.index_cast %sub3A_242 : i32 to index
        %get3A_299 = arith.constant 144 : index
        %get3A_300 = tpu.vector_load %arg6[%get3A_297, %get3A_298, %get3A_299] {strides = array<i32>} : memref<2x128x192xf32, #tpu.memory_space<vmem>>, vector<1x1x16xf32>,
        %get3A_301 = vector.shape_cast %get3A_300 : vector<1x1x16xf32> to vector<16xf32>
        %add3A_302 = arith.addf %while3A_239, %get3A_301 : vector<16xf32>
        %get3A_303 = arith.index_cast %scan3A_90 : i32 to index
        %get3A_304 = arith.index_cast %sub3A_242 : i32 to index
        %get3A_305 = arith.constant 160 : index
        %get3A_306 = tpu.vector_load %arg6[%get3A_303, %get3A_304, %get3A_305] {strides = array<i32>} : memref<2x128x192xf32, #tpu.memory_space<vmem>>, vector<1x1x16xf32>,
        %get3A_307 = vector.shape_cast %get3A_306 : vector<1x1x16xf32> to vector<16xf32>
        %add3A_308 = arith.addf %while3A_240, %get3A_307 : vector<16xf32>
        %get3A_309 = arith.index_cast %scan3A_90 : i32 to index
        %get3A_310 = arith.index_cast %sub3A_242 : i32 to index
        %get3A_311 = arith.constant 176 : index
        %get3A_312 = tpu.vector_load %arg6[%get3A_309, %get3A_310, %get3A_311] {strides = array<i32>} : memref<2x128x192xf32, #tpu.memory_space<vmem>>, vector<1x1x16xf32>,
        %get3A_313 = vector.shape_cast %get3A_312 : vector<1x1x16xf32> to vector<16xf32>
        %add3A_314 = arith.addf %while3A_241, %get3A_313 : vector<16xf32>
        scf.yield %add3A_248, %add3A_254, %add3A_260, %add3A_266, %add3A_272, %add3A_278, %add3A_284, %add3A_290, %add3A_296, %add3A_302, %add3A_308, %add3A_314 : vector<16xf32>, vector<16xf32>, vector<16xf32>, vector<16xf32>, vector<16xf32>, vector<16xf32>, vector<16xf32>, vector<16xf32>, vector<16xf32>, vector<16xf32>, vector<16xf32>, vector<16xf32>
      }
      %while3A_139 = arith.constant 1 : i32
      %while3A_140:12 = scf.for %while3A_229 = %while3A_136 to %while3A_132 step %while3A_139 iter_args(%while3A_230 = %while3A_138#0, %while3A_231 = %while3A_138#1, %while3A_232 = %while3A_138#2, %while3A_233 = %while3A_138#3, %while3A_234 = %while3A_138#4, %while3A_235 = %while3A_138#5, %while3A_236 = %while3A_138#6, %while3A_237 = %while3A_138#7, %while3A_238 = %while3A_138#8, %while3A_239 = %while3A_138#9, %while3A_240 = %while3A_138#10, %while3A_241 = %while3A_138#11) -> (vector<16xf32>, vector<16xf32>, vector<16xf32>, vector<16xf32>, vector<16xf32>, vector<16xf32>, vector<16xf32>, vector<16xf32>, vector<16xf32>, vector<16xf32>, vector<16xf32>, vector<16xf32>)  : i32 {
        %sub3A_242 = arith.subi %while3A_229, %scan3A_89 : i32
        %get3A_243 = arith.index_cast %scan3A_90 : i32 to index
        %get3A_244 = arith.index_cast %sub3A_242 : i32 to index
        %get3A_245 = arith.constant 0 : index
        %get3A_246 = tpu.vector_load %arg6[%get3A_243, %get3A_244, %get3A_245] {strides = array<i32>} : memref<2x128x192xf32, #tpu.memory_space<vmem>>, vector<1x1x16xf32>,
        %get3A_247 = vector.shape_cast %get3A_246 : vector<1x1x16xf32> to vector<16xf32>
        %add3A_248 = arith.addf %while3A_230, %get3A_247 : vector<16xf32>
        %get3A_249 = arith.index_cast %scan3A_90 : i32 to index
        %get3A_250 = arith.index_cast %sub3A_242 : i32 to index
        %get3A_251 = arith.constant 16 : index
        %get3A_252 = tpu.vector_load %arg6[%get3A_249, %get3A_250, %get3A_251] {strides = array<i32>} : memref<2x128x192xf32, #tpu.memory_space<vmem>>, vector<1x1x16xf32>,
        %get3A_253 = vector.shape_cast %get3A_252 : vector<1x1x16xf32> to vector<16xf32>
        %add3A_254 = arith.addf %while3A_231, %get3A_253 : vector<16xf32>
        %get3A_255 = arith.index_cast %scan3A_90 : i32 to index
        %get3A_256 = arith.index_cast %sub3A_242 : i32 to index
        %get3A_257 = arith.constant 32 : index
        %get3A_258 = tpu.vector_load %arg6[%get3A_255, %get3A_256, %get3A_257] {strides = array<i32>} : memref<2x128x192xf32, #tpu.memory_space<vmem>>, vector<1x1x16xf32>,
        %get3A_259 = vector.shape_cast %get3A_258 : vector<1x1x16xf32> to vector<16xf32>
        %add3A_260 = arith.addf %while3A_232, %get3A_259 : vector<16xf32>
        %get3A_261 = arith.index_cast %scan3A_90 : i32 to index
        %get3A_262 = arith.index_cast %sub3A_242 : i32 to index
        %get3A_263 = arith.constant 48 : index
        %get3A_264 = tpu.vector_load %arg6[%get3A_261, %get3A_262, %get3A_263] {strides = array<i32>} : memref<2x128x192xf32, #tpu.memory_space<vmem>>, vector<1x1x16xf32>,
        %get3A_265 = vector.shape_cast %get3A_264 : vector<1x1x16xf32> to vector<16xf32>
        %add3A_266 = arith.addf %while3A_233, %get3A_265 : vector<16xf32>
        %get3A_267 = arith.index_cast %scan3A_90 : i32 to index
        %get3A_268 = arith.index_cast %sub3A_242 : i32 to index
        %get3A_269 = arith.constant 64 : index
        %get3A_270 = tpu.vector_load %arg6[%get3A_267, %get3A_268, %get3A_269] {strides = array<i32>} : memref<2x128x192xf32, #tpu.memory_space<vmem>>, vector<1x1x16xf32>,
        %get3A_271 = vector.shape_cast %get3A_270 : vector<1x1x16xf32> to vector<16xf32>
        %add3A_272 = arith.addf %while3A_234, %get3A_271 : vector<16xf32>
        %get3A_273 = arith.index_cast %scan3A_90 : i32 to index
        %get3A_274 = arith.index_cast %sub3A_242 : i32 to index
        %get3A_275 = arith.constant 80 : index
        %get3A_276 = tpu.vector_load %arg6[%get3A_273, %get3A_274, %get3A_275] {strides = array<i32>} : memref<2x128x192xf32, #tpu.memory_space<vmem>>, vector<1x1x16xf32>,
        %get3A_277 = vector.shape_cast %get3A_276 : vector<1x1x16xf32> to vector<16xf32>
        %add3A_278 = arith.addf %while3A_235, %get3A_277 : vector<16xf32>
        %get3A_279 = arith.index_cast %scan3A_90 : i32 to index
        %get3A_280 = arith.index_cast %sub3A_242 : i32 to index
        %get3A_281 = arith.constant 96 : index
        %get3A_282 = tpu.vector_load %arg6[%get3A_279, %get3A_280, %get3A_281] {strides = array<i32>} : memref<2x128x192xf32, #tpu.memory_space<vmem>>, vector<1x1x16xf32>,
        %get3A_283 = vector.shape_cast %get3A_282 : vector<1x1x16xf32> to vector<16xf32>
        %add3A_284 = arith.addf %while3A_236, %get3A_283 : vector<16xf32>
        %get3A_285 = arith.index_cast %scan3A_90 : i32 to index
        %get3A_286 = arith.index_cast %sub3A_242 : i32 to index
        %get3A_287 = arith.constant 112 : index
        %get3A_288 = tpu.vector_load %arg6[%get3A_285, %get3A_286, %get3A_287] {strides = array<i32>} : memref<2x128x192xf32, #tpu.memory_space<vmem>>, vector<1x1x16xf32>,
        %get3A_289 = vector.shape_cast %get3A_288 : vector<1x1x16xf32> to vector<16xf32>
        %add3A_290 = arith.addf %while3A_237, %get3A_289 : vector<16xf32>
        %get3A_291 = arith.index_cast %scan3A_90 : i32 to index
        %get3A_292 = arith.index_cast %sub3A_242 : i32 to index
        %get3A_293 = arith.constant 128 : index
        %get3A_294 = tpu.vector_load %arg6[%get3A_291, %get3A_292, %get3A_293] {strides = array<i32>} : memref<2x128x192xf32, #tpu.memory_space<vmem>>, vector<1x1x16xf32>,
        %get3A_295 = vector.shape_cast %get3A_294 : vector<1x1x16xf32> to vector<16xf32>
        %add3A_296 = arith.addf %while3A_238, %get3A_295 : vector<16xf32>
        %get3A_297 = arith.index_cast %scan3A_90 : i32 to index
        %get3A_298 = arith.index_cast %sub3A_242 : i32 to index
        %get3A_299 = arith.constant 144 : index
        %get3A_300 = tpu.vector_load %arg6[%get3A_297, %get3A_298, %get3A_299] {strides = array<i32>} : memref<2x128x192xf32, #tpu.memory_space<vmem>>, vector<1x1x16xf32>,
        %get3A_301 = vector.shape_cast %get3A_300 : vector<1x1x16xf32> to vector<16xf32>
        %add3A_302 = arith.addf %while3A_239, %get3A_301 : vector<16xf32>
        %get3A_303 = arith.index_cast %scan3A_90 : i32 to index
        %get3A_304 = arith.index_cast %sub3A_242 : i32 to index
        %get3A_305 = arith.constant 160 : index
        %get3A_306 = tpu.vector_load %arg6[%get3A_303, %get3A_304, %get3A_305] {strides = array<i32>} : memref<2x128x192xf32, #tpu.memory_space<vmem>>, vector<1x1x16xf32>,
        %get3A_307 = vector.shape_cast %get3A_306 : vector<1x1x16xf32> to vector<16xf32>
        %add3A_308 = arith.addf %while3A_240, %get3A_307 : vector<16xf32>
        %get3A_309 = arith.index_cast %scan3A_90 : i32 to index
        %get3A_310 = arith.index_cast %sub3A_242 : i32 to index
        %get3A_311 = arith.constant 176 : index
        %get3A_312 = tpu.vector_load %arg6[%get3A_309, %get3A_310, %get3A_311] {strides = array<i32>} : memref<2x128x192xf32, #tpu.memory_space<vmem>>, vector<1x1x16xf32>,
        %get3A_313 = vector.shape_cast %get3A_312 : vector<1x1x16xf32> to vector<16xf32>
        %add3A_314 = arith.addf %while3A_241, %get3A_313 : vector<16xf32>
        scf.yield %add3A_248, %add3A_254, %add3A_260, %add3A_266, %add3A_272, %add3A_278, %add3A_284, %add3A_290, %add3A_296, %add3A_302, %add3A_308, %add3A_314 : vector<16xf32>, vector<16xf32>, vector<16xf32>, vector<16xf32>, vector<16xf32>, vector<16xf32>, vector<16xf32>, vector<16xf32>, vector<16xf32>, vector<16xf32>, vector<16xf32>, vector<16xf32>
      }
      %while3A_141 = arith.constant 0 : i32
      %while3A_142 = arith.subi %max3A_127, %while3A_141 : i32
      %while3A_143 = arith.addi %while3A_141, %while3A_142 : i32
      %while3A_144 = arith.constant 1 : i32
      %while3A_145 = arith.divsi %while3A_142, %while3A_144 : i32
      %while3A_146 = arith.muli %while3A_145, %while3A_144 : i32
      %while3A_147 = arith.addi %while3A_141, %while3A_146 : i32
      %while3A_148 = arith.constant 1 : i32
      %while3A_149:15 = scf.for %while3A_229 = %while3A_141 to %while3A_147 step %while3A_148 iter_args(%while3A_230 = %scan3A_89, %while3A_231 = %scan3A_90, %while3A_232 = %min3A_130, %while3A_233 = %while3A_140#0, %while3A_234 = %while3A_140#1, %while3A_235 = %while3A_140#2, %while3A_236 = %while3A_140#3, %while3A_237 = %while3A_140#4, %while3A_238 = %while3A_140#5, %while3A_239 = %while3A_140#6, %while3A_240 = %while3A_140#7, %while3A_241 = %while3A_140#8, %while3A_242 = %while3A_140#9, %while3A_243 = %while3A_140#10, %while3A_244 = %while3A_140#11) -> (i32, i32, i32, vector<16xf32>, vector<16xf32>, vector<16xf32>, vector<16xf32>, vector<16xf32>, vector<16xf32>, vector<16xf32>, vector<16xf32>, vector<16xf32>, vector<16xf32>, vector<16xf32>, vector<16xf32>)  : i32 {
        %add3A_245 = arith.constant 128 : i32
        %add3A_246 = arith.addi %while3A_230, %add3A_245 : i32
        %min3A_247 = arith.constant 32640 : i32
        %min3A_248 = arith.minsi %add3A_246, %min3A_247 : i32
        %sub3A_249 = arith.constant 1 : i32
        %sub3A_250 = arith.subi %sub3A_249, %while3A_231 : i32
        %add3A_251 = arith.constant 128 : i32
        %add3A_252 = arith.addi %min3A_248, %add3A_251 : i32
        %min3A_253 = arith.constant 32640 : i32
        %min3A_254 = arith.minsi %add3A_252, %min3A_253 : i32
        %multiple_of3A_255 = tpu.assume_multiple %min3A_254, 8 : i32
        %eq3A_256 = arith.constant 0 : i32
        %eq3A_257 = arith.cmpi eq, %sub3A_250, %eq3A_256 : i32
        %convert_element_type3A_258 = arith.extui %eq3A_257 : i1 to i32
        %cond3A_259 = arith.constant 0 : i32
        %cond3A_260 = arith.cmpi ne, %convert_element_type3A_258, %cond3A_259 : i32
        scf.if %cond3A_260 {
          %dma_wait3A_279 = arith.constant 0 : i32
          %dma_wait3A_280 = arith.constant 0 : i32
          %dma_wait3A_281 = arith.constant 0 : i32
          %dma_wait3A_282 = tpu.memref_slice %arg6[%dma_wait3A_279, %dma_wait3A_280, %dma_wait3A_281] : memref<2x128x192xf32, #tpu.memory_space<vmem>> -> memref<1x128x192xf32, #tpu.memory_space<vmem>>
          %dma_wait3A_283 = tpu.memref_squeeze %dma_wait3A_282 : memref<1x128x192xf32, #tpu.memory_space<vmem>> -> memref<128x192xf32, #tpu.memory_space<vmem>>
          %dma_wait3A_284 = arith.constant 0 : i32
          %dma_wait3A_285 = arith.constant 0 : i32
          %dma_wait3A_286 = tpu.memref_slice %arg2[%dma_wait3A_284, %dma_wait3A_285] : memref<32768x192xf32, #tpu.memory_space<hbm>> -> memref<128x192xf32, #tpu.memory_space<hbm>>
          %dma_wait3A_287 = arith.constant 0 : i32
          %dma_wait3A_288 = arith.constant 0 : i32
          %dma_wait3A_289 = tpu.memref_slice %arg6[%dma_wait3A_279, %dma_wait3A_287, %dma_wait3A_288] : memref<2x128x192xf32, #tpu.memory_space<vmem>> -> memref<1x128x192xf32, #tpu.memory_space<vmem>>
          %dma_wait3A_290 = tpu.memref_squeeze %dma_wait3A_289 : memref<1x128x192xf32, #tpu.memory_space<vmem>> -> memref<128x192xf32, #tpu.memory_space<vmem>>
          %dma_wait3A_291 = arith.constant 0 : i32
          %dma_wait3A_292 = arith.constant 0 : i32
          %dma_wait3A_293 = tpu.memref_slice %arg2[%dma_wait3A_291, %dma_wait3A_292] : memref<32768x192xf32, #tpu.memory_space<hbm>> -> memref<128x192xf32, #tpu.memory_space<hbm>>
          tpu.wait_dma2 semaphore(%arg9 : memref<!tpu.dma_semaphore, #tpu.memory_space<semaphore_mem>>) src(%dma_wait3A_293 : memref<128x192xf32, #tpu.memory_space<hbm>>) dst(%dma_wait3A_290 : memref<128x192xf32, #tpu.memory_space<vmem>>)
          %dma_start3A_294 = arith.constant 1 : i32
          %dma_start3A_295 = arith.constant 0 : i32
          %dma_start3A_296 = arith.constant 0 : i32
          %dma_start3A_297 = tpu.memref_slice %arg6[%dma_start3A_294, %dma_start3A_295, %dma_start3A_296] : memref<2x128x192xf32, #tpu.memory_space<vmem>> -> memref<1x128x192xf32, #tpu.memory_space<vmem>>
          %dma_start3A_298 = tpu.memref_squeeze %dma_start3A_297 : memref<1x128x192xf32, #tpu.memory_space<vmem>> -> memref<128x192xf32, #tpu.memory_space<vmem>>
          %dma_start3A_299 = arith.constant 0 : i32
          %dma_start3A_300 = tpu.memref_slice %arg2[%multiple_of3A_255, %dma_start3A_299] : memref<32768x192xf32, #tpu.memory_space<hbm>> -> memref<128x192xf32, #tpu.memory_space<hbm>>
          %dma_start3A_301 = arith.constant 0 : i32
          %dma_start3A_302 = arith.constant 0 : i32
          %dma_start3A_303 = tpu.memref_slice %arg6[%dma_start3A_294, %dma_start3A_301, %dma_start3A_302] : memref<2x128x192xf32, #tpu.memory_space<vmem>> -> memref<1x128x192xf32, #tpu.memory_space<vmem>>
          %dma_start3A_304 = tpu.memref_squeeze %dma_start3A_303 : memref<1x128x192xf32, #tpu.memory_space<vmem>> -> memref<128x192xf32, #tpu.memory_space<vmem>>
          %dma_start3A_305 = arith.constant 0 : i32
          %dma_start3A_306 = tpu.memref_slice %arg2[%multiple_of3A_255, %dma_start3A_305] : memref<32768x192xf32, #tpu.memory_space<hbm>> -> memref<128x192xf32, #tpu.memory_space<hbm>>
          tpu.enqueue_dma source(%dma_start3A_306 : memref<128x192xf32, #tpu.memory_space<hbm>>) target(%dma_start3A_304 : memref<128x192xf32, #tpu.memory_space<vmem>>) target_semaphore(%arg10 : memref<!tpu.dma_semaphore, #tpu.memory_space<semaphore_mem>>)
        } else {
        }
        %eq3A_261 = arith.constant 1 : i32
        %eq3A_262 = arith.cmpi eq, %sub3A_250, %eq3A_261 : i32
        %convert_element_type3A_263 = arith.extui %eq3A_262 : i1 to i32
        %cond3A_264 = arith.constant 0 : i32
        %cond3A_265 = arith.cmpi ne, %convert_element_type3A_263, %cond3A_264 : i32
        scf.if %cond3A_265 {
          %dma_wait3A_279 = arith.constant 1 : i32
          %dma_wait3A_280 = arith.constant 0 : i32
          %dma_wait3A_281 = arith.constant 0 : i32
          %dma_wait3A_282 = tpu.memref_slice %arg6[%dma_wait3A_279, %dma_wait3A_280, %dma_wait3A_281] : memref<2x128x192xf32, #tpu.memory_space<vmem>> -> memref<1x128x192xf32, #tpu.memory_space<vmem>>
          %dma_wait3A_283 = tpu.memref_squeeze %dma_wait3A_282 : memref<1x128x192xf32, #tpu.memory_space<vmem>> -> memref<128x192xf32, #tpu.memory_space<vmem>>
          %dma_wait3A_284 = arith.constant 0 : i32
          %dma_wait3A_285 = arith.constant 0 : i32
          %dma_wait3A_286 = tpu.memref_slice %arg2[%dma_wait3A_284, %dma_wait3A_285] : memref<32768x192xf32, #tpu.memory_space<hbm>> -> memref<128x192xf32, #tpu.memory_space<hbm>>
          %dma_wait3A_287 = arith.constant 0 : i32
          %dma_wait3A_288 = arith.constant 0 : i32
          %dma_wait3A_289 = tpu.memref_slice %arg6[%dma_wait3A_279, %dma_wait3A_287, %dma_wait3A_288] : memref<2x128x192xf32, #tpu.memory_space<vmem>> -> memref<1x128x192xf32, #tpu.memory_space<vmem>>
          %dma_wait3A_290 = tpu.memref_squeeze %dma_wait3A_289 : memref<1x128x192xf32, #tpu.memory_space<vmem>> -> memref<128x192xf32, #tpu.memory_space<vmem>>
          %dma_wait3A_291 = arith.constant 0 : i32
          %dma_wait3A_292 = arith.constant 0 : i32
          %dma_wait3A_293 = tpu.memref_slice %arg2[%dma_wait3A_291, %dma_wait3A_292] : memref<32768x192xf32, #tpu.memory_space<hbm>> -> memref<128x192xf32, #tpu.memory_space<hbm>>
          tpu.wait_dma2 semaphore(%arg10 : memref<!tpu.dma_semaphore, #tpu.memory_space<semaphore_mem>>) src(%dma_wait3A_293 : memref<128x192xf32, #tpu.memory_space<hbm>>) dst(%dma_wait3A_290 : memref<128x192xf32, #tpu.memory_space<vmem>>)
          %dma_start3A_294 = arith.constant 0 : i32
          %dma_start3A_295 = arith.constant 0 : i32
          %dma_start3A_296 = arith.constant 0 : i32
          %dma_start3A_297 = tpu.memref_slice %arg6[%dma_start3A_294, %dma_start3A_295, %dma_start3A_296] : memref<2x128x192xf32, #tpu.memory_space<vmem>> -> memref<1x128x192xf32, #tpu.memory_space<vmem>>
          %dma_start3A_298 = tpu.memref_squeeze %dma_start3A_297 : memref<1x128x192xf32, #tpu.memory_space<vmem>> -> memref<128x192xf32, #tpu.memory_space<vmem>>
          %dma_start3A_299 = arith.constant 0 : i32
          %dma_start3A_300 = tpu.memref_slice %arg2[%multiple_of3A_255, %dma_start3A_299] : memref<32768x192xf32, #tpu.memory_space<hbm>> -> memref<128x192xf32, #tpu.memory_space<hbm>>
          %dma_start3A_301 = arith.constant 0 : i32
          %dma_start3A_302 = arith.constant 0 : i32
          %dma_start3A_303 = tpu.memref_slice %arg6[%dma_start3A_294, %dma_start3A_301, %dma_start3A_302] : memref<2x128x192xf32, #tpu.memory_space<vmem>> -> memref<1x128x192xf32, #tpu.memory_space<vmem>>
          %dma_start3A_304 = tpu.memref_squeeze %dma_start3A_303 : memref<1x128x192xf32, #tpu.memory_space<vmem>> -> memref<128x192xf32, #tpu.memory_space<vmem>>
          %dma_start3A_305 = arith.constant 0 : i32
          %dma_start3A_306 = tpu.memref_slice %arg2[%multiple_of3A_255, %dma_start3A_305] : memref<32768x192xf32, #tpu.memory_space<hbm>> -> memref<128x192xf32, #tpu.memory_space<hbm>>
          tpu.enqueue_dma source(%dma_start3A_306 : memref<128x192xf32, #tpu.memory_space<hbm>>) target(%dma_start3A_304 : memref<128x192xf32, #tpu.memory_space<vmem>>) target_semaphore(%arg9 : memref<!tpu.dma_semaphore, #tpu.memory_space<semaphore_mem>>)
        } else {
        }
        %add3A_266 = arith.constant 128 : i32
        %add3A_267 = arith.addi %min3A_248, %add3A_266 : i32
        %min3A_268 = arith.minsi %squeeze3A_99, %add3A_267 : i32
        %while3A_269 = arith.subi %min3A_268, %while3A_232 : i32
        %while3A_270 = arith.addi %while3A_232, %while3A_269 : i32
        %while3A_271 = arith.constant 1 : i32
        %while3A_272 = arith.divsi %while3A_269, %while3A_271 : i32
        %while3A_273 = arith.muli %while3A_272, %while3A_271 : i32
        %while3A_274 = arith.addi %while3A_232, %while3A_273 : i32
        %while3A_275 = arith.constant 1 : i32
        %while3A_276:12 = scf.for %while3A_279 = %while3A_232 to %while3A_274 step %while3A_275 iter_args(%while3A_280 = %while3A_233, %while3A_281 = %while3A_234, %while3A_282 = %while3A_235, %while3A_283 = %while3A_236, %while3A_284 = %while3A_237, %while3A_285 = %while3A_238, %while3A_286 = %while3A_239, %while3A_287 = %while3A_240, %while3A_288 = %while3A_241, %while3A_289 = %while3A_242, %while3A_290 = %while3A_243, %while3A_291 = %while3A_244) -> (vector<16xf32>, vector<16xf32>, vector<16xf32>, vector<16xf32>, vector<16xf32>, vector<16xf32>, vector<16xf32>, vector<16xf32>, vector<16xf32>, vector<16xf32>, vector<16xf32>, vector<16xf32>)  : i32 {
          %sub3A_292 = arith.subi %while3A_279, %min3A_248 : i32
          %get3A_293 = arith.index_cast %sub3A_250 : i32 to index
          %get3A_294 = arith.index_cast %sub3A_292 : i32 to index
          %get3A_295 = arith.constant 0 : index
          %get3A_296 = tpu.vector_load %arg6[%get3A_293, %get3A_294, %get3A_295] {strides = array<i32>} : memref<2x128x192xf32, #tpu.memory_space<vmem>>, vector<1x1x16xf32>,
          %get3A_297 = vector.shape_cast %get3A_296 : vector<1x1x16xf32> to vector<16xf32>
          %add3A_298 = arith.addf %while3A_280, %get3A_297 : vector<16xf32>
          %get3A_299 = arith.index_cast %sub3A_250 : i32 to index
          %get3A_300 = arith.index_cast %sub3A_292 : i32 to index
          %get3A_301 = arith.constant 16 : index
          %get3A_302 = tpu.vector_load %arg6[%get3A_299, %get3A_300, %get3A_301] {strides = array<i32>} : memref<2x128x192xf32, #tpu.memory_space<vmem>>, vector<1x1x16xf32>,
          %get3A_303 = vector.shape_cast %get3A_302 : vector<1x1x16xf32> to vector<16xf32>
          %add3A_304 = arith.addf %while3A_281, %get3A_303 : vector<16xf32>
          %get3A_305 = arith.index_cast %sub3A_250 : i32 to index
          %get3A_306 = arith.index_cast %sub3A_292 : i32 to index
          %get3A_307 = arith.constant 32 : index
          %get3A_308 = tpu.vector_load %arg6[%get3A_305, %get3A_306, %get3A_307] {strides = array<i32>} : memref<2x128x192xf32, #tpu.memory_space<vmem>>, vector<1x1x16xf32>,
          %get3A_309 = vector.shape_cast %get3A_308 : vector<1x1x16xf32> to vector<16xf32>
          %add3A_310 = arith.addf %while3A_282, %get3A_309 : vector<16xf32>
          %get3A_311 = arith.index_cast %sub3A_250 : i32 to index
          %get3A_312 = arith.index_cast %sub3A_292 : i32 to index
          %get3A_313 = arith.constant 48 : index
          %get3A_314 = tpu.vector_load %arg6[%get3A_311, %get3A_312, %get3A_313] {strides = array<i32>} : memref<2x128x192xf32, #tpu.memory_space<vmem>>, vector<1x1x16xf32>,
          %get3A_315 = vector.shape_cast %get3A_314 : vector<1x1x16xf32> to vector<16xf32>
          %add3A_316 = arith.addf %while3A_283, %get3A_315 : vector<16xf32>
          %get3A_317 = arith.index_cast %sub3A_250 : i32 to index
          %get3A_318 = arith.index_cast %sub3A_292 : i32 to index
          %get3A_319 = arith.constant 64 : index
          %get3A_320 = tpu.vector_load %arg6[%get3A_317, %get3A_318, %get3A_319] {strides = array<i32>} : memref<2x128x192xf32, #tpu.memory_space<vmem>>, vector<1x1x16xf32>,
          %get3A_321 = vector.shape_cast %get3A_320 : vector<1x1x16xf32> to vector<16xf32>
          %add3A_322 = arith.addf %while3A_284, %get3A_321 : vector<16xf32>
          %get3A_323 = arith.index_cast %sub3A_250 : i32 to index
          %get3A_324 = arith.index_cast %sub3A_292 : i32 to index
          %get3A_325 = arith.constant 80 : index
          %get3A_326 = tpu.vector_load %arg6[%get3A_323, %get3A_324, %get3A_325] {strides = array<i32>} : memref<2x128x192xf32, #tpu.memory_space<vmem>>, vector<1x1x16xf32>,
          %get3A_327 = vector.shape_cast %get3A_326 : vector<1x1x16xf32> to vector<16xf32>
          %add3A_328 = arith.addf %while3A_285, %get3A_327 : vector<16xf32>
          %get3A_329 = arith.index_cast %sub3A_250 : i32 to index
          %get3A_330 = arith.index_cast %sub3A_292 : i32 to index
          %get3A_331 = arith.constant 96 : index
          %get3A_332 = tpu.vector_load %arg6[%get3A_329, %get3A_330, %get3A_331] {strides = array<i32>} : memref<2x128x192xf32, #tpu.memory_space<vmem>>, vector<1x1x16xf32>,
          %get3A_333 = vector.shape_cast %get3A_332 : vector<1x1x16xf32> to vector<16xf32>
          %add3A_334 = arith.addf %while3A_286, %get3A_333 : vector<16xf32>
          %get3A_335 = arith.index_cast %sub3A_250 : i32 to index
          %get3A_336 = arith.index_cast %sub3A_292 : i32 to index
          %get3A_337 = arith.constant 112 : index
          %get3A_338 = tpu.vector_load %arg6[%get3A_335, %get3A_336, %get3A_337] {strides = array<i32>} : memref<2x128x192xf32, #tpu.memory_space<vmem>>, vector<1x1x16xf32>,
          %get3A_339 = vector.shape_cast %get3A_338 : vector<1x1x16xf32> to vector<16xf32>
          %add3A_340 = arith.addf %while3A_287, %get3A_339 : vector<16xf32>
          %get3A_341 = arith.index_cast %sub3A_250 : i32 to index
          %get3A_342 = arith.index_cast %sub3A_292 : i32 to index
          %get3A_343 = arith.constant 128 : index
          %get3A_344 = tpu.vector_load %arg6[%get3A_341, %get3A_342, %get3A_343] {strides = array<i32>} : memref<2x128x192xf32, #tpu.memory_space<vmem>>, vector<1x1x16xf32>,
          %get3A_345 = vector.shape_cast %get3A_344 : vector<1x1x16xf32> to vector<16xf32>
          %add3A_346 = arith.addf %while3A_288, %get3A_345 : vector<16xf32>
          %get3A_347 = arith.index_cast %sub3A_250 : i32 to index
          %get3A_348 = arith.index_cast %sub3A_292 : i32 to index
          %get3A_349 = arith.constant 144 : index
          %get3A_350 = tpu.vector_load %arg6[%get3A_347, %get3A_348, %get3A_349] {strides = array<i32>} : memref<2x128x192xf32, #tpu.memory_space<vmem>>, vector<1x1x16xf32>,
          %get3A_351 = vector.shape_cast %get3A_350 : vector<1x1x16xf32> to vector<16xf32>
          %add3A_352 = arith.addf %while3A_289, %get3A_351 : vector<16xf32>
          %get3A_353 = arith.index_cast %sub3A_250 : i32 to index
          %get3A_354 = arith.index_cast %sub3A_292 : i32 to index
          %get3A_355 = arith.constant 160 : index
          %get3A_356 = tpu.vector_load %arg6[%get3A_353, %get3A_354, %get3A_355] {strides = array<i32>} : memref<2x128x192xf32, #tpu.memory_space<vmem>>, vector<1x1x16xf32>,
          %get3A_357 = vector.shape_cast %get3A_356 : vector<1x1x16xf32> to vector<16xf32>
          %add3A_358 = arith.addf %while3A_290, %get3A_357 : vector<16xf32>
          %get3A_359 = arith.index_cast %sub3A_250 : i32 to index
          %get3A_360 = arith.index_cast %sub3A_292 : i32 to index
          %get3A_361 = arith.constant 176 : index
          %get3A_362 = tpu.vector_load %arg6[%get3A_359, %get3A_360, %get3A_361] {strides = array<i32>} : memref<2x128x192xf32, #tpu.memory_space<vmem>>, vector<1x1x16xf32>,
          %get3A_363 = vector.shape_cast %get3A_362 : vector<1x1x16xf32> to vector<16xf32>
          %add3A_364 = arith.addf %while3A_291, %get3A_363 : vector<16xf32>
          scf.yield %add3A_298, %add3A_304, %add3A_310, %add3A_316, %add3A_322, %add3A_328, %add3A_334, %add3A_340, %add3A_346, %add3A_352, %add3A_358, %add3A_364 : vector<16xf32>, vector<16xf32>, vector<16xf32>, vector<16xf32>, vector<16xf32>, vector<16xf32>, vector<16xf32>, vector<16xf32>, vector<16xf32>, vector<16xf32>, vector<16xf32>, vector<16xf32>
        }
        %while3A_277 = arith.constant 1 : i32
        %while3A_278:12 = scf.for %while3A_279 = %while3A_274 to %while3A_270 step %while3A_277 iter_args(%while3A_280 = %while3A_276#0, %while3A_281 = %while3A_276#1, %while3A_282 = %while3A_276#2, %while3A_283 = %while3A_276#3, %while3A_284 = %while3A_276#4, %while3A_285 = %while3A_276#5, %while3A_286 = %while3A_276#6, %while3A_287 = %while3A_276#7, %while3A_288 = %while3A_276#8, %while3A_289 = %while3A_276#9, %while3A_290 = %while3A_276#10, %while3A_291 = %while3A_276#11) -> (vector<16xf32>, vector<16xf32>, vector<16xf32>, vector<16xf32>, vector<16xf32>, vector<16xf32>, vector<16xf32>, vector<16xf32>, vector<16xf32>, vector<16xf32>, vector<16xf32>, vector<16xf32>)  : i32 {
          %sub3A_292 = arith.subi %while3A_279, %min3A_248 : i32
          %get3A_293 = arith.index_cast %sub3A_250 : i32 to index
          %get3A_294 = arith.index_cast %sub3A_292 : i32 to index
          %get3A_295 = arith.constant 0 : index
          %get3A_296 = tpu.vector_load %arg6[%get3A_293, %get3A_294, %get3A_295] {strides = array<i32>} : memref<2x128x192xf32, #tpu.memory_space<vmem>>, vector<1x1x16xf32>,
          %get3A_297 = vector.shape_cast %get3A_296 : vector<1x1x16xf32> to vector<16xf32>
          %add3A_298 = arith.addf %while3A_280, %get3A_297 : vector<16xf32>
          %get3A_299 = arith.index_cast %sub3A_250 : i32 to index
          %get3A_300 = arith.index_cast %sub3A_292 : i32 to index
          %get3A_301 = arith.constant 16 : index
          %get3A_302 = tpu.vector_load %arg6[%get3A_299, %get3A_300, %get3A_301] {strides = array<i32>} : memref<2x128x192xf32, #tpu.memory_space<vmem>>, vector<1x1x16xf32>,
          %get3A_303 = vector.shape_cast %get3A_302 : vector<1x1x16xf32> to vector<16xf32>
          %add3A_304 = arith.addf %while3A_281, %get3A_303 : vector<16xf32>
          %get3A_305 = arith.index_cast %sub3A_250 : i32 to index
          %get3A_306 = arith.index_cast %sub3A_292 : i32 to index
          %get3A_307 = arith.constant 32 : index
          %get3A_308 = tpu.vector_load %arg6[%get3A_305, %get3A_306, %get3A_307] {strides = array<i32>} : memref<2x128x192xf32, #tpu.memory_space<vmem>>, vector<1x1x16xf32>,
          %get3A_309 = vector.shape_cast %get3A_308 : vector<1x1x16xf32> to vector<16xf32>
          %add3A_310 = arith.addf %while3A_282, %get3A_309 : vector<16xf32>
          %get3A_311 = arith.index_cast %sub3A_250 : i32 to index
          %get3A_312 = arith.index_cast %sub3A_292 : i32 to index
          %get3A_313 = arith.constant 48 : index
          %get3A_314 = tpu.vector_load %arg6[%get3A_311, %get3A_312, %get3A_313] {strides = array<i32>} : memref<2x128x192xf32, #tpu.memory_space<vmem>>, vector<1x1x16xf32>,
          %get3A_315 = vector.shape_cast %get3A_314 : vector<1x1x16xf32> to vector<16xf32>
          %add3A_316 = arith.addf %while3A_283, %get3A_315 : vector<16xf32>
          %get3A_317 = arith.index_cast %sub3A_250 : i32 to index
          %get3A_318 = arith.index_cast %sub3A_292 : i32 to index
          %get3A_319 = arith.constant 64 : index
          %get3A_320 = tpu.vector_load %arg6[%get3A_317, %get3A_318, %get3A_319] {strides = array<i32>} : memref<2x128x192xf32, #tpu.memory_space<vmem>>, vector<1x1x16xf32>,
          %get3A_321 = vector.shape_cast %get3A_320 : vector<1x1x16xf32> to vector<16xf32>
          %add3A_322 = arith.addf %while3A_284, %get3A_321 : vector<16xf32>
          %get3A_323 = arith.index_cast %sub3A_250 : i32 to index
          %get3A_324 = arith.index_cast %sub3A_292 : i32 to index
          %get3A_325 = arith.constant 80 : index
          %get3A_326 = tpu.vector_load %arg6[%get3A_323, %get3A_324, %get3A_325] {strides = array<i32>} : memref<2x128x192xf32, #tpu.memory_space<vmem>>, vector<1x1x16xf32>,
          %get3A_327 = vector.shape_cast %get3A_326 : vector<1x1x16xf32> to vector<16xf32>
          %add3A_328 = arith.addf %while3A_285, %get3A_327 : vector<16xf32>
          %get3A_329 = arith.index_cast %sub3A_250 : i32 to index
          %get3A_330 = arith.index_cast %sub3A_292 : i32 to index
          %get3A_331 = arith.constant 96 : index
          %get3A_332 = tpu.vector_load %arg6[%get3A_329, %get3A_330, %get3A_331] {strides = array<i32>} : memref<2x128x192xf32, #tpu.memory_space<vmem>>, vector<1x1x16xf32>,
          %get3A_333 = vector.shape_cast %get3A_332 : vector<1x1x16xf32> to vector<16xf32>
          %add3A_334 = arith.addf %while3A_286, %get3A_333 : vector<16xf32>
          %get3A_335 = arith.index_cast %sub3A_250 : i32 to index
          %get3A_336 = arith.index_cast %sub3A_292 : i32 to index
          %get3A_337 = arith.constant 112 : index
          %get3A_338 = tpu.vector_load %arg6[%get3A_335, %get3A_336, %get3A_337] {strides = array<i32>} : memref<2x128x192xf32, #tpu.memory_space<vmem>>, vector<1x1x16xf32>,
          %get3A_339 = vector.shape_cast %get3A_338 : vector<1x1x16xf32> to vector<16xf32>
          %add3A_340 = arith.addf %while3A_287, %get3A_339 : vector<16xf32>
          %get3A_341 = arith.index_cast %sub3A_250 : i32 to index
          %get3A_342 = arith.index_cast %sub3A_292 : i32 to index
          %get3A_343 = arith.constant 128 : index
          %get3A_344 = tpu.vector_load %arg6[%get3A_341, %get3A_342, %get3A_343] {strides = array<i32>} : memref<2x128x192xf32, #tpu.memory_space<vmem>>, vector<1x1x16xf32>,
          %get3A_345 = vector.shape_cast %get3A_344 : vector<1x1x16xf32> to vector<16xf32>
          %add3A_346 = arith.addf %while3A_288, %get3A_345 : vector<16xf32>
          %get3A_347 = arith.index_cast %sub3A_250 : i32 to index
          %get3A_348 = arith.index_cast %sub3A_292 : i32 to index
          %get3A_349 = arith.constant 144 : index
          %get3A_350 = tpu.vector_load %arg6[%get3A_347, %get3A_348, %get3A_349] {strides = array<i32>} : memref<2x128x192xf32, #tpu.memory_space<vmem>>, vector<1x1x16xf32>,
          %get3A_351 = vector.shape_cast %get3A_350 : vector<1x1x16xf32> to vector<16xf32>
          %add3A_352 = arith.addf %while3A_289, %get3A_351 : vector<16xf32>
          %get3A_353 = arith.index_cast %sub3A_250 : i32 to index
          %get3A_354 = arith.index_cast %sub3A_292 : i32 to index
          %get3A_355 = arith.constant 160 : index
          %get3A_356 = tpu.vector_load %arg6[%get3A_353, %get3A_354, %get3A_355] {strides = array<i32>} : memref<2x128x192xf32, #tpu.memory_space<vmem>>, vector<1x1x16xf32>,
          %get3A_357 = vector.shape_cast %get3A_356 : vector<1x1x16xf32> to vector<16xf32>
          %add3A_358 = arith.addf %while3A_290, %get3A_357 : vector<16xf32>
          %get3A_359 = arith.index_cast %sub3A_250 : i32 to index
          %get3A_360 = arith.index_cast %sub3A_292 : i32 to index
          %get3A_361 = arith.constant 176 : index
          %get3A_362 = tpu.vector_load %arg6[%get3A_359, %get3A_360, %get3A_361] {strides = array<i32>} : memref<2x128x192xf32, #tpu.memory_space<vmem>>, vector<1x1x16xf32>,
          %get3A_363 = vector.shape_cast %get3A_362 : vector<1x1x16xf32> to vector<16xf32>
          %add3A_364 = arith.addf %while3A_291, %get3A_363 : vector<16xf32>
          scf.yield %add3A_298, %add3A_304, %add3A_310, %add3A_316, %add3A_322, %add3A_328, %add3A_334, %add3A_340, %add3A_346, %add3A_352, %add3A_358, %add3A_364 : vector<16xf32>, vector<16xf32>, vector<16xf32>, vector<16xf32>, vector<16xf32>, vector<16xf32>, vector<16xf32>, vector<16xf32>, vector<16xf32>, vector<16xf32>, vector<16xf32>, vector<16xf32>
        }
        scf.yield %min3A_248, %sub3A_250, %min3A_268, %while3A_278#0, %while3A_278#1, %while3A_278#2, %while3A_278#3, %while3A_278#4, %while3A_278#5, %while3A_278#6, %while3A_278#7, %while3A_278#8, %while3A_278#9, %while3A_278#10, %while3A_278#11 : i32, i32, i32, vector<16xf32>, vector<16xf32>, vector<16xf32>, vector<16xf32>, vector<16xf32>, vector<16xf32>, vector<16xf32>, vector<16xf32>, vector<16xf32>, vector<16xf32>, vector<16xf32>, vector<16xf32>
      }
      %while3A_150 = arith.constant 1 : i32
      %while3A_151:15 = scf.for %while3A_229 = %while3A_147 to %while3A_143 step %while3A_150 iter_args(%while3A_230 = %while3A_149#0, %while3A_231 = %while3A_149#1, %while3A_232 = %while3A_149#2, %while3A_233 = %while3A_149#3, %while3A_234 = %while3A_149#4, %while3A_235 = %while3A_149#5, %while3A_236 = %while3A_149#6, %while3A_237 = %while3A_149#7, %while3A_238 = %while3A_149#8, %while3A_239 = %while3A_149#9, %while3A_240 = %while3A_149#10, %while3A_241 = %while3A_149#11, %while3A_242 = %while3A_149#12, %while3A_243 = %while3A_149#13, %while3A_244 = %while3A_149#14) -> (i32, i32, i32, vector<16xf32>, vector<16xf32>, vector<16xf32>, vector<16xf32>, vector<16xf32>, vector<16xf32>, vector<16xf32>, vector<16xf32>, vector<16xf32>, vector<16xf32>, vector<16xf32>, vector<16xf32>)  : i32 {
        %add3A_245 = arith.constant 128 : i32
        %add3A_246 = arith.addi %while3A_230, %add3A_245 : i32
        %min3A_247 = arith.constant 32640 : i32
        %min3A_248 = arith.minsi %add3A_246, %min3A_247 : i32
        %sub3A_249 = arith.constant 1 : i32
        %sub3A_250 = arith.subi %sub3A_249, %while3A_231 : i32
        %add3A_251 = arith.constant 128 : i32
        %add3A_252 = arith.addi %min3A_248, %add3A_251 : i32
        %min3A_253 = arith.constant 32640 : i32
        %min3A_254 = arith.minsi %add3A_252, %min3A_253 : i32
        %multiple_of3A_255 = tpu.assume_multiple %min3A_254, 8 : i32
        %eq3A_256 = arith.constant 0 : i32
        %eq3A_257 = arith.cmpi eq, %sub3A_250, %eq3A_256 : i32
        %convert_element_type3A_258 = arith.extui %eq3A_257 : i1 to i32
        %cond3A_259 = arith.constant 0 : i32
        %cond3A_260 = arith.cmpi ne, %convert_element_type3A_258, %cond3A_259 : i32
        scf.if %cond3A_260 {
          %dma_wait3A_279 = arith.constant 0 : i32
          %dma_wait3A_280 = arith.constant 0 : i32
          %dma_wait3A_281 = arith.constant 0 : i32
          %dma_wait3A_282 = tpu.memref_slice %arg6[%dma_wait3A_279, %dma_wait3A_280, %dma_wait3A_281] : memref<2x128x192xf32, #tpu.memory_space<vmem>> -> memref<1x128x192xf32, #tpu.memory_space<vmem>>
          %dma_wait3A_283 = tpu.memref_squeeze %dma_wait3A_282 : memref<1x128x192xf32, #tpu.memory_space<vmem>> -> memref<128x192xf32, #tpu.memory_space<vmem>>
          %dma_wait3A_284 = arith.constant 0 : i32
          %dma_wait3A_285 = arith.constant 0 : i32
          %dma_wait3A_286 = tpu.memref_slice %arg2[%dma_wait3A_284, %dma_wait3A_285] : memref<32768x192xf32, #tpu.memory_space<hbm>> -> memref<128x192xf32, #tpu.memory_space<hbm>>
          %dma_wait3A_287 = arith.constant 0 : i32
          %dma_wait3A_288 = arith.constant 0 : i32
          %dma_wait3A_289 = tpu.memref_slice %arg6[%dma_wait3A_279, %dma_wait3A_287, %dma_wait3A_288] : memref<2x128x192xf32, #tpu.memory_space<vmem>> -> memref<1x128x192xf32, #tpu.memory_space<vmem>>
          %dma_wait3A_290 = tpu.memref_squeeze %dma_wait3A_289 : memref<1x128x192xf32, #tpu.memory_space<vmem>> -> memref<128x192xf32, #tpu.memory_space<vmem>>
          %dma_wait3A_291 = arith.constant 0 : i32
          %dma_wait3A_292 = arith.constant 0 : i32
          %dma_wait3A_293 = tpu.memref_slice %arg2[%dma_wait3A_291, %dma_wait3A_292] : memref<32768x192xf32, #tpu.memory_space<hbm>> -> memref<128x192xf32, #tpu.memory_space<hbm>>
          tpu.wait_dma2 semaphore(%arg9 : memref<!tpu.dma_semaphore, #tpu.memory_space<semaphore_mem>>) src(%dma_wait3A_293 : memref<128x192xf32, #tpu.memory_space<hbm>>) dst(%dma_wait3A_290 : memref<128x192xf32, #tpu.memory_space<vmem>>)
          %dma_start3A_294 = arith.constant 1 : i32
          %dma_start3A_295 = arith.constant 0 : i32
          %dma_start3A_296 = arith.constant 0 : i32
          %dma_start3A_297 = tpu.memref_slice %arg6[%dma_start3A_294, %dma_start3A_295, %dma_start3A_296] : memref<2x128x192xf32, #tpu.memory_space<vmem>> -> memref<1x128x192xf32, #tpu.memory_space<vmem>>
          %dma_start3A_298 = tpu.memref_squeeze %dma_start3A_297 : memref<1x128x192xf32, #tpu.memory_space<vmem>> -> memref<128x192xf32, #tpu.memory_space<vmem>>
          %dma_start3A_299 = arith.constant 0 : i32
          %dma_start3A_300 = tpu.memref_slice %arg2[%multiple_of3A_255, %dma_start3A_299] : memref<32768x192xf32, #tpu.memory_space<hbm>> -> memref<128x192xf32, #tpu.memory_space<hbm>>
          %dma_start3A_301 = arith.constant 0 : i32
          %dma_start3A_302 = arith.constant 0 : i32
          %dma_start3A_303 = tpu.memref_slice %arg6[%dma_start3A_294, %dma_start3A_301, %dma_start3A_302] : memref<2x128x192xf32, #tpu.memory_space<vmem>> -> memref<1x128x192xf32, #tpu.memory_space<vmem>>
          %dma_start3A_304 = tpu.memref_squeeze %dma_start3A_303 : memref<1x128x192xf32, #tpu.memory_space<vmem>> -> memref<128x192xf32, #tpu.memory_space<vmem>>
          %dma_start3A_305 = arith.constant 0 : i32
          %dma_start3A_306 = tpu.memref_slice %arg2[%multiple_of3A_255, %dma_start3A_305] : memref<32768x192xf32, #tpu.memory_space<hbm>> -> memref<128x192xf32, #tpu.memory_space<hbm>>
          tpu.enqueue_dma source(%dma_start3A_306 : memref<128x192xf32, #tpu.memory_space<hbm>>) target(%dma_start3A_304 : memref<128x192xf32, #tpu.memory_space<vmem>>) target_semaphore(%arg10 : memref<!tpu.dma_semaphore, #tpu.memory_space<semaphore_mem>>)
        } else {
        }
        %eq3A_261 = arith.constant 1 : i32
        %eq3A_262 = arith.cmpi eq, %sub3A_250, %eq3A_261 : i32
        %convert_element_type3A_263 = arith.extui %eq3A_262 : i1 to i32
        %cond3A_264 = arith.constant 0 : i32
        %cond3A_265 = arith.cmpi ne, %convert_element_type3A_263, %cond3A_264 : i32
        scf.if %cond3A_265 {
          %dma_wait3A_279 = arith.constant 1 : i32
          %dma_wait3A_280 = arith.constant 0 : i32
          %dma_wait3A_281 = arith.constant 0 : i32
          %dma_wait3A_282 = tpu.memref_slice %arg6[%dma_wait3A_279, %dma_wait3A_280, %dma_wait3A_281] : memref<2x128x192xf32, #tpu.memory_space<vmem>> -> memref<1x128x192xf32, #tpu.memory_space<vmem>>
          %dma_wait3A_283 = tpu.memref_squeeze %dma_wait3A_282 : memref<1x128x192xf32, #tpu.memory_space<vmem>> -> memref<128x192xf32, #tpu.memory_space<vmem>>
          %dma_wait3A_284 = arith.constant 0 : i32
          %dma_wait3A_285 = arith.constant 0 : i32
          %dma_wait3A_286 = tpu.memref_slice %arg2[%dma_wait3A_284, %dma_wait3A_285] : memref<32768x192xf32, #tpu.memory_space<hbm>> -> memref<128x192xf32, #tpu.memory_space<hbm>>
          %dma_wait3A_287 = arith.constant 0 : i32
          %dma_wait3A_288 = arith.constant 0 : i32
          %dma_wait3A_289 = tpu.memref_slice %arg6[%dma_wait3A_279, %dma_wait3A_287, %dma_wait3A_288] : memref<2x128x192xf32, #tpu.memory_space<vmem>> -> memref<1x128x192xf32, #tpu.memory_space<vmem>>
          %dma_wait3A_290 = tpu.memref_squeeze %dma_wait3A_289 : memref<1x128x192xf32, #tpu.memory_space<vmem>> -> memref<128x192xf32, #tpu.memory_space<vmem>>
          %dma_wait3A_291 = arith.constant 0 : i32
          %dma_wait3A_292 = arith.constant 0 : i32
          %dma_wait3A_293 = tpu.memref_slice %arg2[%dma_wait3A_291, %dma_wait3A_292] : memref<32768x192xf32, #tpu.memory_space<hbm>> -> memref<128x192xf32, #tpu.memory_space<hbm>>
          tpu.wait_dma2 semaphore(%arg10 : memref<!tpu.dma_semaphore, #tpu.memory_space<semaphore_mem>>) src(%dma_wait3A_293 : memref<128x192xf32, #tpu.memory_space<hbm>>) dst(%dma_wait3A_290 : memref<128x192xf32, #tpu.memory_space<vmem>>)
          %dma_start3A_294 = arith.constant 0 : i32
          %dma_start3A_295 = arith.constant 0 : i32
          %dma_start3A_296 = arith.constant 0 : i32
          %dma_start3A_297 = tpu.memref_slice %arg6[%dma_start3A_294, %dma_start3A_295, %dma_start3A_296] : memref<2x128x192xf32, #tpu.memory_space<vmem>> -> memref<1x128x192xf32, #tpu.memory_space<vmem>>
          %dma_start3A_298 = tpu.memref_squeeze %dma_start3A_297 : memref<1x128x192xf32, #tpu.memory_space<vmem>> -> memref<128x192xf32, #tpu.memory_space<vmem>>
          %dma_start3A_299 = arith.constant 0 : i32
          %dma_start3A_300 = tpu.memref_slice %arg2[%multiple_of3A_255, %dma_start3A_299] : memref<32768x192xf32, #tpu.memory_space<hbm>> -> memref<128x192xf32, #tpu.memory_space<hbm>>
          %dma_start3A_301 = arith.constant 0 : i32
          %dma_start3A_302 = arith.constant 0 : i32
          %dma_start3A_303 = tpu.memref_slice %arg6[%dma_start3A_294, %dma_start3A_301, %dma_start3A_302] : memref<2x128x192xf32, #tpu.memory_space<vmem>> -> memref<1x128x192xf32, #tpu.memory_space<vmem>>
          %dma_start3A_304 = tpu.memref_squeeze %dma_start3A_303 : memref<1x128x192xf32, #tpu.memory_space<vmem>> -> memref<128x192xf32, #tpu.memory_space<vmem>>
          %dma_start3A_305 = arith.constant 0 : i32
          %dma_start3A_306 = tpu.memref_slice %arg2[%multiple_of3A_255, %dma_start3A_305] : memref<32768x192xf32, #tpu.memory_space<hbm>> -> memref<128x192xf32, #tpu.memory_space<hbm>>
          tpu.enqueue_dma source(%dma_start3A_306 : memref<128x192xf32, #tpu.memory_space<hbm>>) target(%dma_start3A_304 : memref<128x192xf32, #tpu.memory_space<vmem>>) target_semaphore(%arg9 : memref<!tpu.dma_semaphore, #tpu.memory_space<semaphore_mem>>)
        } else {
        }
        %add3A_266 = arith.constant 128 : i32
        %add3A_267 = arith.addi %min3A_248, %add3A_266 : i32
        %min3A_268 = arith.minsi %squeeze3A_99, %add3A_267 : i32
        %while3A_269 = arith.subi %min3A_268, %while3A_232 : i32
        %while3A_270 = arith.addi %while3A_232, %while3A_269 : i32
        %while3A_271 = arith.constant 1 : i32
        %while3A_272 = arith.divsi %while3A_269, %while3A_271 : i32
        %while3A_273 = arith.muli %while3A_272, %while3A_271 : i32
        %while3A_274 = arith.addi %while3A_232, %while3A_273 : i32
        %while3A_275 = arith.constant 1 : i32
        %while3A_276:12 = scf.for %while3A_279 = %while3A_232 to %while3A_274 step %while3A_275 iter_args(%while3A_280 = %while3A_233, %while3A_281 = %while3A_234, %while3A_282 = %while3A_235, %while3A_283 = %while3A_236, %while3A_284 = %while3A_237, %while3A_285 = %while3A_238, %while3A_286 = %while3A_239, %while3A_287 = %while3A_240, %while3A_288 = %while3A_241, %while3A_289 = %while3A_242, %while3A_290 = %while3A_243, %while3A_291 = %while3A_244) -> (vector<16xf32>, vector<16xf32>, vector<16xf32>, vector<16xf32>, vector<16xf32>, vector<16xf32>, vector<16xf32>, vector<16xf32>, vector<16xf32>, vector<16xf32>, vector<16xf32>, vector<16xf32>)  : i32 {
          %sub3A_292 = arith.subi %while3A_279, %min3A_248 : i32
          %get3A_293 = arith.index_cast %sub3A_250 : i32 to index
          %get3A_294 = arith.index_cast %sub3A_292 : i32 to index
          %get3A_295 = arith.constant 0 : index
          %get3A_296 = tpu.vector_load %arg6[%get3A_293, %get3A_294, %get3A_295] {strides = array<i32>} : memref<2x128x192xf32, #tpu.memory_space<vmem>>, vector<1x1x16xf32>,
          %get3A_297 = vector.shape_cast %get3A_296 : vector<1x1x16xf32> to vector<16xf32>
          %add3A_298 = arith.addf %while3A_280, %get3A_297 : vector<16xf32>
          %get3A_299 = arith.index_cast %sub3A_250 : i32 to index
          %get3A_300 = arith.index_cast %sub3A_292 : i32 to index
          %get3A_301 = arith.constant 16 : index
          %get3A_302 = tpu.vector_load %arg6[%get3A_299, %get3A_300, %get3A_301] {strides = array<i32>} : memref<2x128x192xf32, #tpu.memory_space<vmem>>, vector<1x1x16xf32>,
          %get3A_303 = vector.shape_cast %get3A_302 : vector<1x1x16xf32> to vector<16xf32>
          %add3A_304 = arith.addf %while3A_281, %get3A_303 : vector<16xf32>
          %get3A_305 = arith.index_cast %sub3A_250 : i32 to index
          %get3A_306 = arith.index_cast %sub3A_292 : i32 to index
          %get3A_307 = arith.constant 32 : index
          %get3A_308 = tpu.vector_load %arg6[%get3A_305, %get3A_306, %get3A_307] {strides = array<i32>} : memref<2x128x192xf32, #tpu.memory_space<vmem>>, vector<1x1x16xf32>,
          %get3A_309 = vector.shape_cast %get3A_308 : vector<1x1x16xf32> to vector<16xf32>
          %add3A_310 = arith.addf %while3A_282, %get3A_309 : vector<16xf32>
          %get3A_311 = arith.index_cast %sub3A_250 : i32 to index
          %get3A_312 = arith.index_cast %sub3A_292 : i32 to index
          %get3A_313 = arith.constant 48 : index
          %get3A_314 = tpu.vector_load %arg6[%get3A_311, %get3A_312, %get3A_313] {strides = array<i32>} : memref<2x128x192xf32, #tpu.memory_space<vmem>>, vector<1x1x16xf32>,
          %get3A_315 = vector.shape_cast %get3A_314 : vector<1x1x16xf32> to vector<16xf32>
          %add3A_316 = arith.addf %while3A_283, %get3A_315 : vector<16xf32>
          %get3A_317 = arith.index_cast %sub3A_250 : i32 to index
          %get3A_318 = arith.index_cast %sub3A_292 : i32 to index
          %get3A_319 = arith.constant 64 : index
          %get3A_320 = tpu.vector_load %arg6[%get3A_317, %get3A_318, %get3A_319] {strides = array<i32>} : memref<2x128x192xf32, #tpu.memory_space<vmem>>, vector<1x1x16xf32>,
          %get3A_321 = vector.shape_cast %get3A_320 : vector<1x1x16xf32> to vector<16xf32>
          %add3A_322 = arith.addf %while3A_284, %get3A_321 : vector<16xf32>
          %get3A_323 = arith.index_cast %sub3A_250 : i32 to index
          %get3A_324 = arith.index_cast %sub3A_292 : i32 to index
          %get3A_325 = arith.constant 80 : index
          %get3A_326 = tpu.vector_load %arg6[%get3A_323, %get3A_324, %get3A_325] {strides = array<i32>} : memref<2x128x192xf32, #tpu.memory_space<vmem>>, vector<1x1x16xf32>,
          %get3A_327 = vector.shape_cast %get3A_326 : vector<1x1x16xf32> to vector<16xf32>
          %add3A_328 = arith.addf %while3A_285, %get3A_327 : vector<16xf32>
          %get3A_329 = arith.index_cast %sub3A_250 : i32 to index
          %get3A_330 = arith.index_cast %sub3A_292 : i32 to index
          %get3A_331 = arith.constant 96 : index
          %get3A_332 = tpu.vector_load %arg6[%get3A_329, %get3A_330, %get3A_331] {strides = array<i32>} : memref<2x128x192xf32, #tpu.memory_space<vmem>>, vector<1x1x16xf32>,
          %get3A_333 = vector.shape_cast %get3A_332 : vector<1x1x16xf32> to vector<16xf32>
          %add3A_334 = arith.addf %while3A_286, %get3A_333 : vector<16xf32>
          %get3A_335 = arith.index_cast %sub3A_250 : i32 to index
          %get3A_336 = arith.index_cast %sub3A_292 : i32 to index
          %get3A_337 = arith.constant 112 : index
          %get3A_338 = tpu.vector_load %arg6[%get3A_335, %get3A_336, %get3A_337] {strides = array<i32>} : memref<2x128x192xf32, #tpu.memory_space<vmem>>, vector<1x1x16xf32>,
          %get3A_339 = vector.shape_cast %get3A_338 : vector<1x1x16xf32> to vector<16xf32>
          %add3A_340 = arith.addf %while3A_287, %get3A_339 : vector<16xf32>
          %get3A_341 = arith.index_cast %sub3A_250 : i32 to index
          %get3A_342 = arith.index_cast %sub3A_292 : i32 to index
          %get3A_343 = arith.constant 128 : index
          %get3A_344 = tpu.vector_load %arg6[%get3A_341, %get3A_342, %get3A_343] {strides = array<i32>} : memref<2x128x192xf32, #tpu.memory_space<vmem>>, vector<1x1x16xf32>,
          %get3A_345 = vector.shape_cast %get3A_344 : vector<1x1x16xf32> to vector<16xf32>
          %add3A_346 = arith.addf %while3A_288, %get3A_345 : vector<16xf32>
          %get3A_347 = arith.index_cast %sub3A_250 : i32 to index
          %get3A_348 = arith.index_cast %sub3A_292 : i32 to index
          %get3A_349 = arith.constant 144 : index
          %get3A_350 = tpu.vector_load %arg6[%get3A_347, %get3A_348, %get3A_349] {strides = array<i32>} : memref<2x128x192xf32, #tpu.memory_space<vmem>>, vector<1x1x16xf32>,
          %get3A_351 = vector.shape_cast %get3A_350 : vector<1x1x16xf32> to vector<16xf32>
          %add3A_352 = arith.addf %while3A_289, %get3A_351 : vector<16xf32>
          %get3A_353 = arith.index_cast %sub3A_250 : i32 to index
          %get3A_354 = arith.index_cast %sub3A_292 : i32 to index
          %get3A_355 = arith.constant 160 : index
          %get3A_356 = tpu.vector_load %arg6[%get3A_353, %get3A_354, %get3A_355] {strides = array<i32>} : memref<2x128x192xf32, #tpu.memory_space<vmem>>, vector<1x1x16xf32>,
          %get3A_357 = vector.shape_cast %get3A_356 : vector<1x1x16xf32> to vector<16xf32>
          %add3A_358 = arith.addf %while3A_290, %get3A_357 : vector<16xf32>
          %get3A_359 = arith.index_cast %sub3A_250 : i32 to index
          %get3A_360 = arith.index_cast %sub3A_292 : i32 to index
          %get3A_361 = arith.constant 176 : index
          %get3A_362 = tpu.vector_load %arg6[%get3A_359, %get3A_360, %get3A_361] {strides = array<i32>} : memref<2x128x192xf32, #tpu.memory_space<vmem>>, vector<1x1x16xf32>,
          %get3A_363 = vector.shape_cast %get3A_362 : vector<1x1x16xf32> to vector<16xf32>
          %add3A_364 = arith.addf %while3A_291, %get3A_363 : vector<16xf32>
          scf.yield %add3A_298, %add3A_304, %add3A_310, %add3A_316, %add3A_322, %add3A_328, %add3A_334, %add3A_340, %add3A_346, %add3A_352, %add3A_358, %add3A_364 : vector<16xf32>, vector<16xf32>, vector<16xf32>, vector<16xf32>, vector<16xf32>, vector<16xf32>, vector<16xf32>, vector<16xf32>, vector<16xf32>, vector<16xf32>, vector<16xf32>, vector<16xf32>
        }
        %while3A_277 = arith.constant 1 : i32
        %while3A_278:12 = scf.for %while3A_279 = %while3A_274 to %while3A_270 step %while3A_277 iter_args(%while3A_280 = %while3A_276#0, %while3A_281 = %while3A_276#1, %while3A_282 = %while3A_276#2, %while3A_283 = %while3A_276#3, %while3A_284 = %while3A_276#4, %while3A_285 = %while3A_276#5, %while3A_286 = %while3A_276#6, %while3A_287 = %while3A_276#7, %while3A_288 = %while3A_276#8, %while3A_289 = %while3A_276#9, %while3A_290 = %while3A_276#10, %while3A_291 = %while3A_276#11) -> (vector<16xf32>, vector<16xf32>, vector<16xf32>, vector<16xf32>, vector<16xf32>, vector<16xf32>, vector<16xf32>, vector<16xf32>, vector<16xf32>, vector<16xf32>, vector<16xf32>, vector<16xf32>)  : i32 {
          %sub3A_292 = arith.subi %while3A_279, %min3A_248 : i32
          %get3A_293 = arith.index_cast %sub3A_250 : i32 to index
          %get3A_294 = arith.index_cast %sub3A_292 : i32 to index
          %get3A_295 = arith.constant 0 : index
          %get3A_296 = tpu.vector_load %arg6[%get3A_293, %get3A_294, %get3A_295] {strides = array<i32>} : memref<2x128x192xf32, #tpu.memory_space<vmem>>, vector<1x1x16xf32>,
          %get3A_297 = vector.shape_cast %get3A_296 : vector<1x1x16xf32> to vector<16xf32>
          %add3A_298 = arith.addf %while3A_280, %get3A_297 : vector<16xf32>
          %get3A_299 = arith.index_cast %sub3A_250 : i32 to index
          %get3A_300 = arith.index_cast %sub3A_292 : i32 to index
          %get3A_301 = arith.constant 16 : index
          %get3A_302 = tpu.vector_load %arg6[%get3A_299, %get3A_300, %get3A_301] {strides = array<i32>} : memref<2x128x192xf32, #tpu.memory_space<vmem>>, vector<1x1x16xf32>,
          %get3A_303 = vector.shape_cast %get3A_302 : vector<1x1x16xf32> to vector<16xf32>
          %add3A_304 = arith.addf %while3A_281, %get3A_303 : vector<16xf32>
          %get3A_305 = arith.index_cast %sub3A_250 : i32 to index
          %get3A_306 = arith.index_cast %sub3A_292 : i32 to index
          %get3A_307 = arith.constant 32 : index
          %get3A_308 = tpu.vector_load %arg6[%get3A_305, %get3A_306, %get3A_307] {strides = array<i32>} : memref<2x128x192xf32, #tpu.memory_space<vmem>>, vector<1x1x16xf32>,
          %get3A_309 = vector.shape_cast %get3A_308 : vector<1x1x16xf32> to vector<16xf32>
          %add3A_310 = arith.addf %while3A_282, %get3A_309 : vector<16xf32>
          %get3A_311 = arith.index_cast %sub3A_250 : i32 to index
          %get3A_312 = arith.index_cast %sub3A_292 : i32 to index
          %get3A_313 = arith.constant 48 : index
          %get3A_314 = tpu.vector_load %arg6[%get3A_311, %get3A_312, %get3A_313] {strides = array<i32>} : memref<2x128x192xf32, #tpu.memory_space<vmem>>, vector<1x1x16xf32>,
          %get3A_315 = vector.shape_cast %get3A_314 : vector<1x1x16xf32> to vector<16xf32>
          %add3A_316 = arith.addf %while3A_283, %get3A_315 : vector<16xf32>
          %get3A_317 = arith.index_cast %sub3A_250 : i32 to index
          %get3A_318 = arith.index_cast %sub3A_292 : i32 to index
          %get3A_319 = arith.constant 64 : index
          %get3A_320 = tpu.vector_load %arg6[%get3A_317, %get3A_318, %get3A_319] {strides = array<i32>} : memref<2x128x192xf32, #tpu.memory_space<vmem>>, vector<1x1x16xf32>,
          %get3A_321 = vector.shape_cast %get3A_320 : vector<1x1x16xf32> to vector<16xf32>
          %add3A_322 = arith.addf %while3A_284, %get3A_321 : vector<16xf32>
          %get3A_323 = arith.index_cast %sub3A_250 : i32 to index
          %get3A_324 = arith.index_cast %sub3A_292 : i32 to index
          %get3A_325 = arith.constant 80 : index
          %get3A_326 = tpu.vector_load %arg6[%get3A_323, %get3A_324, %get3A_325] {strides = array<i32>} : memref<2x128x192xf32, #tpu.memory_space<vmem>>, vector<1x1x16xf32>,
          %get3A_327 = vector.shape_cast %get3A_326 : vector<1x1x16xf32> to vector<16xf32>
          %add3A_328 = arith.addf %while3A_285, %get3A_327 : vector<16xf32>
          %get3A_329 = arith.index_cast %sub3A_250 : i32 to index
          %get3A_330 = arith.index_cast %sub3A_292 : i32 to index
          %get3A_331 = arith.constant 96 : index
          %get3A_332 = tpu.vector_load %arg6[%get3A_329, %get3A_330, %get3A_331] {strides = array<i32>} : memref<2x128x192xf32, #tpu.memory_space<vmem>>, vector<1x1x16xf32>,
          %get3A_333 = vector.shape_cast %get3A_332 : vector<1x1x16xf32> to vector<16xf32>
          %add3A_334 = arith.addf %while3A_286, %get3A_333 : vector<16xf32>
          %get3A_335 = arith.index_cast %sub3A_250 : i32 to index
          %get3A_336 = arith.index_cast %sub3A_292 : i32 to index
          %get3A_337 = arith.constant 112 : index
          %get3A_338 = tpu.vector_load %arg6[%get3A_335, %get3A_336, %get3A_337] {strides = array<i32>} : memref<2x128x192xf32, #tpu.memory_space<vmem>>, vector<1x1x16xf32>,
          %get3A_339 = vector.shape_cast %get3A_338 : vector<1x1x16xf32> to vector<16xf32>
          %add3A_340 = arith.addf %while3A_287, %get3A_339 : vector<16xf32>
          %get3A_341 = arith.index_cast %sub3A_250 : i32 to index
          %get3A_342 = arith.index_cast %sub3A_292 : i32 to index
          %get3A_343 = arith.constant 128 : index
          %get3A_344 = tpu.vector_load %arg6[%get3A_341, %get3A_342, %get3A_343] {strides = array<i32>} : memref<2x128x192xf32, #tpu.memory_space<vmem>>, vector<1x1x16xf32>,
          %get3A_345 = vector.shape_cast %get3A_344 : vector<1x1x16xf32> to vector<16xf32>
          %add3A_346 = arith.addf %while3A_288, %get3A_345 : vector<16xf32>
          %get3A_347 = arith.index_cast %sub3A_250 : i32 to index
          %get3A_348 = arith.index_cast %sub3A_292 : i32 to index
          %get3A_349 = arith.constant 144 : index
          %get3A_350 = tpu.vector_load %arg6[%get3A_347, %get3A_348, %get3A_349] {strides = array<i32>} : memref<2x128x192xf32, #tpu.memory_space<vmem>>, vector<1x1x16xf32>,
          %get3A_351 = vector.shape_cast %get3A_350 : vector<1x1x16xf32> to vector<16xf32>
          %add3A_352 = arith.addf %while3A_289, %get3A_351 : vector<16xf32>
          %get3A_353 = arith.index_cast %sub3A_250 : i32 to index
          %get3A_354 = arith.index_cast %sub3A_292 : i32 to index
          %get3A_355 = arith.constant 160 : index
          %get3A_356 = tpu.vector_load %arg6[%get3A_353, %get3A_354, %get3A_355] {strides = array<i32>} : memref<2x128x192xf32, #tpu.memory_space<vmem>>, vector<1x1x16xf32>,
          %get3A_357 = vector.shape_cast %get3A_356 : vector<1x1x16xf32> to vector<16xf32>
          %add3A_358 = arith.addf %while3A_290, %get3A_357 : vector<16xf32>
          %get3A_359 = arith.index_cast %sub3A_250 : i32 to index
          %get3A_360 = arith.index_cast %sub3A_292 : i32 to index
          %get3A_361 = arith.constant 176 : index
          %get3A_362 = tpu.vector_load %arg6[%get3A_359, %get3A_360, %get3A_361] {strides = array<i32>} : memref<2x128x192xf32, #tpu.memory_space<vmem>>, vector<1x1x16xf32>,
          %get3A_363 = vector.shape_cast %get3A_362 : vector<1x1x16xf32> to vector<16xf32>
          %add3A_364 = arith.addf %while3A_291, %get3A_363 : vector<16xf32>
          scf.yield %add3A_298, %add3A_304, %add3A_310, %add3A_316, %add3A_322, %add3A_328, %add3A_334, %add3A_340, %add3A_346, %add3A_352, %add3A_358, %add3A_364 : vector<16xf32>, vector<16xf32>, vector<16xf32>, vector<16xf32>, vector<16xf32>, vector<16xf32>, vector<16xf32>, vector<16xf32>, vector<16xf32>, vector<16xf32>, vector<16xf32>, vector<16xf32>
        }
        scf.yield %min3A_248, %sub3A_250, %min3A_268, %while3A_278#0, %while3A_278#1, %while3A_278#2, %while3A_278#3, %while3A_278#4, %while3A_278#5, %while3A_278#6, %while3A_278#7, %while3A_278#8, %while3A_278#9, %while3A_278#10, %while3A_278#11 : i32, i32, i32, vector<16xf32>, vector<16xf32>, vector<16xf32>, vector<16xf32>, vector<16xf32>, vector<16xf32>, vector<16xf32>, vector<16xf32>, vector<16xf32>, vector<16xf32>, vector<16xf32>, vector<16xf32>
      }
      %get3A_152 = arith.index_cast %scan3A_88 : i32 to index
      %get3A_153 = tpu.vector_load %arg8[%get3A_152] {strides = array<i32>} : memref<144xf32, #tpu.memory_space<vmem>>, vector<16xf32>,
      %get3A_154 = vector.shape_cast %get3A_153 : vector<16xf32> to vector<16xf32>
      %slice3A_155 = vector.extract_strided_slice %get3A_154 {offsets = [0], sizes = [1], strides = [1]} : vector<16xf32> to vector<1xf32>
      %squeeze3A_156 = vector.extract %slice3A_155[0] : f32 from vector<1xf32>
      %broadcast_in_dim3A_157 = vector.broadcast %squeeze3A_156 : f32 to vector<16xf32>
      %mul3A_158 = arith.mulf %while3A_151#3, %broadcast_in_dim3A_157 : vector<16xf32>
      %swap3A = arith.index_cast %scan3A_88 : i32 to index
      %swap3A_159 = arith.constant 0 : index
      %swap3A_160 = tpu.vector_load %arg7[%swap3A, %swap3A_159] {strides = array<i32>} : memref<128x192xf32, #tpu.memory_space<vmem>>, vector<1x16xf32>,
      %swap3A_161 = vector.shape_cast %swap3A_160 : vector<1x16xf32> to vector<16xf32>
      %swap3A_162 = vector.shape_cast %mul3A_158 : vector<16xf32> to vector<1x16xf32>
      tpu.vector_store %arg7[%swap3A, %swap3A_159], %swap3A_162 {strides = array<i32>} : memref<128x192xf32, #tpu.memory_space<vmem>>, vector<1x16xf32>,
      %mul3A_163 = arith.mulf %while3A_151#4, %broadcast_in_dim3A_157 : vector<16xf32>
      %swap3A_164 = arith.index_cast %scan3A_88 : i32 to index
      %swap3A_165 = arith.constant 16 : index
      %swap3A_166 = tpu.vector_load %arg7[%swap3A_164, %swap3A_165] {strides = array<i32>} : memref<128x192xf32, #tpu.memory_space<vmem>>, vector<1x16xf32>,
      %swap3A_167 = vector.shape_cast %swap3A_166 : vector<1x16xf32> to vector<16xf32>
      %swap3A_168 = vector.shape_cast %mul3A_163 : vector<16xf32> to vector<1x16xf32>
      tpu.vector_store %arg7[%swap3A_164, %swap3A_165], %swap3A_168 {strides = array<i32>} : memref<128x192xf32, #tpu.memory_space<vmem>>, vector<1x16xf32>,
      %mul3A_169 = arith.mulf %while3A_151#5, %broadcast_in_dim3A_157 : vector<16xf32>
      %swap3A_170 = arith.index_cast %scan3A_88 : i32 to index
      %swap3A_171 = arith.constant 32 : index
      %swap3A_172 = tpu.vector_load %arg7[%swap3A_170, %swap3A_171] {strides = array<i32>} : memref<128x192xf32, #tpu.memory_space<vmem>>, vector<1x16xf32>,
      %swap3A_173 = vector.shape_cast %swap3A_172 : vector<1x16xf32> to vector<16xf32>
      %swap3A_174 = vector.shape_cast %mul3A_169 : vector<16xf32> to vector<1x16xf32>
      tpu.vector_store %arg7[%swap3A_170, %swap3A_171], %swap3A_174 {strides = array<i32>} : memref<128x192xf32, #tpu.memory_space<vmem>>, vector<1x16xf32>,
      %mul3A_175 = arith.mulf %while3A_151#6, %broadcast_in_dim3A_157 : vector<16xf32>
      %swap3A_176 = arith.index_cast %scan3A_88 : i32 to index
      %swap3A_177 = arith.constant 48 : index
      %swap3A_178 = tpu.vector_load %arg7[%swap3A_176, %swap3A_177] {strides = array<i32>} : memref<128x192xf32, #tpu.memory_space<vmem>>, vector<1x16xf32>,
      %swap3A_179 = vector.shape_cast %swap3A_178 : vector<1x16xf32> to vector<16xf32>
      %swap3A_180 = vector.shape_cast %mul3A_175 : vector<16xf32> to vector<1x16xf32>
      tpu.vector_store %arg7[%swap3A_176, %swap3A_177], %swap3A_180 {strides = array<i32>} : memref<128x192xf32, #tpu.memory_space<vmem>>, vector<1x16xf32>,
      %mul3A_181 = arith.mulf %while3A_151#7, %broadcast_in_dim3A_157 : vector<16xf32>
      %swap3A_182 = arith.index_cast %scan3A_88 : i32 to index
      %swap3A_183 = arith.constant 64 : index
      %swap3A_184 = tpu.vector_load %arg7[%swap3A_182, %swap3A_183] {strides = array<i32>} : memref<128x192xf32, #tpu.memory_space<vmem>>, vector<1x16xf32>,
      %swap3A_185 = vector.shape_cast %swap3A_184 : vector<1x16xf32> to vector<16xf32>
      %swap3A_186 = vector.shape_cast %mul3A_181 : vector<16xf32> to vector<1x16xf32>
      tpu.vector_store %arg7[%swap3A_182, %swap3A_183], %swap3A_186 {strides = array<i32>} : memref<128x192xf32, #tpu.memory_space<vmem>>, vector<1x16xf32>,
      %mul3A_187 = arith.mulf %while3A_151#8, %broadcast_in_dim3A_157 : vector<16xf32>
      %swap3A_188 = arith.index_cast %scan3A_88 : i32 to index
      %swap3A_189 = arith.constant 80 : index
      %swap3A_190 = tpu.vector_load %arg7[%swap3A_188, %swap3A_189] {strides = array<i32>} : memref<128x192xf32, #tpu.memory_space<vmem>>, vector<1x16xf32>,
      %swap3A_191 = vector.shape_cast %swap3A_190 : vector<1x16xf32> to vector<16xf32>
      %swap3A_192 = vector.shape_cast %mul3A_187 : vector<16xf32> to vector<1x16xf32>
      tpu.vector_store %arg7[%swap3A_188, %swap3A_189], %swap3A_192 {strides = array<i32>} : memref<128x192xf32, #tpu.memory_space<vmem>>, vector<1x16xf32>,
      %mul3A_193 = arith.mulf %while3A_151#9, %broadcast_in_dim3A_157 : vector<16xf32>
      %swap3A_194 = arith.index_cast %scan3A_88 : i32 to index
      %swap3A_195 = arith.constant 96 : index
      %swap3A_196 = tpu.vector_load %arg7[%swap3A_194, %swap3A_195] {strides = array<i32>} : memref<128x192xf32, #tpu.memory_space<vmem>>, vector<1x16xf32>,
      %swap3A_197 = vector.shape_cast %swap3A_196 : vector<1x16xf32> to vector<16xf32>
      %swap3A_198 = vector.shape_cast %mul3A_193 : vector<16xf32> to vector<1x16xf32>
      tpu.vector_store %arg7[%swap3A_194, %swap3A_195], %swap3A_198 {strides = array<i32>} : memref<128x192xf32, #tpu.memory_space<vmem>>, vector<1x16xf32>,
      %mul3A_199 = arith.mulf %while3A_151#10, %broadcast_in_dim3A_157 : vector<16xf32>
      %swap3A_200 = arith.index_cast %scan3A_88 : i32 to index
      %swap3A_201 = arith.constant 112 : index
      %swap3A_202 = tpu.vector_load %arg7[%swap3A_200, %swap3A_201] {strides = array<i32>} : memref<128x192xf32, #tpu.memory_space<vmem>>, vector<1x16xf32>,
      %swap3A_203 = vector.shape_cast %swap3A_202 : vector<1x16xf32> to vector<16xf32>
      %swap3A_204 = vector.shape_cast %mul3A_199 : vector<16xf32> to vector<1x16xf32>
      tpu.vector_store %arg7[%swap3A_200, %swap3A_201], %swap3A_204 {strides = array<i32>} : memref<128x192xf32, #tpu.memory_space<vmem>>, vector<1x16xf32>,
      %mul3A_205 = arith.mulf %while3A_151#11, %broadcast_in_dim3A_157 : vector<16xf32>
      %swap3A_206 = arith.index_cast %scan3A_88 : i32 to index
      %swap3A_207 = arith.constant 128 : index
      %swap3A_208 = tpu.vector_load %arg7[%swap3A_206, %swap3A_207] {strides = array<i32>} : memref<128x192xf32, #tpu.memory_space<vmem>>, vector<1x16xf32>,
      %swap3A_209 = vector.shape_cast %swap3A_208 : vector<1x16xf32> to vector<16xf32>
      %swap3A_210 = vector.shape_cast %mul3A_205 : vector<16xf32> to vector<1x16xf32>
      tpu.vector_store %arg7[%swap3A_206, %swap3A_207], %swap3A_210 {strides = array<i32>} : memref<128x192xf32, #tpu.memory_space<vmem>>, vector<1x16xf32>,
      %mul3A_211 = arith.mulf %while3A_151#12, %broadcast_in_dim3A_157 : vector<16xf32>
      %swap3A_212 = arith.index_cast %scan3A_88 : i32 to index
      %swap3A_213 = arith.constant 144 : index
      %swap3A_214 = tpu.vector_load %arg7[%swap3A_212, %swap3A_213] {strides = array<i32>} : memref<128x192xf32, #tpu.memory_space<vmem>>, vector<1x16xf32>,
      %swap3A_215 = vector.shape_cast %swap3A_214 : vector<1x16xf32> to vector<16xf32>
      %swap3A_216 = vector.shape_cast %mul3A_211 : vector<16xf32> to vector<1x16xf32>
      tpu.vector_store %arg7[%swap3A_212, %swap3A_213], %swap3A_216 {strides = array<i32>} : memref<128x192xf32, #tpu.memory_space<vmem>>, vector<1x16xf32>,
      %mul3A_217 = arith.mulf %while3A_151#13, %broadcast_in_dim3A_157 : vector<16xf32>
      %swap3A_218 = arith.index_cast %scan3A_88 : i32 to index
      %swap3A_219 = arith.constant 160 : index
      %swap3A_220 = tpu.vector_load %arg7[%swap3A_218, %swap3A_219] {strides = array<i32>} : memref<128x192xf32, #tpu.memory_space<vmem>>, vector<1x16xf32>,
      %swap3A_221 = vector.shape_cast %swap3A_220 : vector<1x16xf32> to vector<16xf32>
      %swap3A_222 = vector.shape_cast %mul3A_217 : vector<16xf32> to vector<1x16xf32>
      tpu.vector_store %arg7[%swap3A_218, %swap3A_219], %swap3A_222 {strides = array<i32>} : memref<128x192xf32, #tpu.memory_space<vmem>>, vector<1x16xf32>,
      %mul3A_223 = arith.mulf %while3A_151#14, %broadcast_in_dim3A_157 : vector<16xf32>
      %swap3A_224 = arith.index_cast %scan3A_88 : i32 to index
      %swap3A_225 = arith.constant 176 : index
      %swap3A_226 = tpu.vector_load %arg7[%swap3A_224, %swap3A_225] {strides = array<i32>} : memref<128x192xf32, #tpu.memory_space<vmem>>, vector<1x16xf32>,
      %swap3A_227 = vector.shape_cast %swap3A_226 : vector<1x16xf32> to vector<16xf32>
      %swap3A_228 = vector.shape_cast %mul3A_223 : vector<16xf32> to vector<1x16xf32>
      tpu.vector_store %arg7[%swap3A_224, %swap3A_225], %swap3A_228 {strides = array<i32>} : memref<128x192xf32, #tpu.memory_space<vmem>>, vector<1x16xf32>,
      scf.yield %while3A_151#0, %while3A_151#1, %squeeze3A_99 : i32, i32, i32
    }
    %scan3A_80 = arith.constant 128 : i32
    %eq3A = arith.constant 0 : i32
    %eq3A_81 = arith.cmpi eq, %scan3A_79#1, %eq3A : i32
    %convert_element_type3A = arith.extui %eq3A_81 : i1 to i32
    %cond3A = arith.constant 0 : i32
    %cond3A_82 = arith.cmpi ne, %convert_element_type3A, %cond3A : i32
    scf.if %cond3A_82 {
      %dma_wait3A_88 = arith.constant 1 : i32
      %dma_wait3A_89 = arith.constant 0 : i32
      %dma_wait3A_90 = arith.constant 0 : i32
      %dma_wait3A_91 = tpu.memref_slice %arg6[%dma_wait3A_88, %dma_wait3A_89, %dma_wait3A_90] : memref<2x128x192xf32, #tpu.memory_space<vmem>> -> memref<1x128x192xf32, #tpu.memory_space<vmem>>
      %dma_wait3A_92 = tpu.memref_squeeze %dma_wait3A_91 : memref<1x128x192xf32, #tpu.memory_space<vmem>> -> memref<128x192xf32, #tpu.memory_space<vmem>>
      %dma_wait3A_93 = arith.constant 0 : i32
      %dma_wait3A_94 = arith.constant 0 : i32
      %dma_wait3A_95 = tpu.memref_slice %arg2[%dma_wait3A_93, %dma_wait3A_94] : memref<32768x192xf32, #tpu.memory_space<hbm>> -> memref<128x192xf32, #tpu.memory_space<hbm>>
      %dma_wait3A_96 = arith.constant 0 : i32
      %dma_wait3A_97 = arith.constant 0 : i32
      %dma_wait3A_98 = tpu.memref_slice %arg6[%dma_wait3A_88, %dma_wait3A_96, %dma_wait3A_97] : memref<2x128x192xf32, #tpu.memory_space<vmem>> -> memref<1x128x192xf32, #tpu.memory_space<vmem>>
      %dma_wait3A_99 = tpu.memref_squeeze %dma_wait3A_98 : memref<1x128x192xf32, #tpu.memory_space<vmem>> -> memref<128x192xf32, #tpu.memory_space<vmem>>
      %dma_wait3A_100 = arith.constant 0 : i32
      %dma_wait3A_101 = arith.constant 0 : i32
      %dma_wait3A_102 = tpu.memref_slice %arg2[%dma_wait3A_100, %dma_wait3A_101] : memref<32768x192xf32, #tpu.memory_space<hbm>> -> memref<128x192xf32, #tpu.memory_space<hbm>>
      tpu.wait_dma2 semaphore(%arg10 : memref<!tpu.dma_semaphore, #tpu.memory_space<semaphore_mem>>) src(%dma_wait3A_102 : memref<128x192xf32, #tpu.memory_space<hbm>>) dst(%dma_wait3A_99 : memref<128x192xf32, #tpu.memory_space<vmem>>)
    } else {
    }
    %eq3A_83 = arith.constant 1 : i32
    %eq3A_84 = arith.cmpi eq, %scan3A_79#1, %eq3A_83 : i32
    %convert_element_type3A_85 = arith.extui %eq3A_84 : i1 to i32
    %cond3A_86 = arith.constant 0 : i32
    %cond3A_87 = arith.cmpi ne, %convert_element_type3A_85, %cond3A_86 : i32
    scf.if %cond3A_87 {
      %dma_wait3A_88 = arith.constant 0 : i32
      %dma_wait3A_89 = arith.constant 0 : i32
      %dma_wait3A_90 = arith.constant 0 : i32
      %dma_wait3A_91 = tpu.memref_slice %arg6[%dma_wait3A_88, %dma_wait3A_89, %dma_wait3A_90] : memref<2x128x192xf32, #tpu.memory_space<vmem>> -> memref<1x128x192xf32, #tpu.memory_space<vmem>>
      %dma_wait3A_92 = tpu.memref_squeeze %dma_wait3A_91 : memref<1x128x192xf32, #tpu.memory_space<vmem>> -> memref<128x192xf32, #tpu.memory_space<vmem>>
      %dma_wait3A_93 = arith.constant 0 : i32
      %dma_wait3A_94 = arith.constant 0 : i32
      %dma_wait3A_95 = tpu.memref_slice %arg2[%dma_wait3A_93, %dma_wait3A_94] : memref<32768x192xf32, #tpu.memory_space<hbm>> -> memref<128x192xf32, #tpu.memory_space<hbm>>
      %dma_wait3A_96 = arith.constant 0 : i32
      %dma_wait3A_97 = arith.constant 0 : i32
      %dma_wait3A_98 = tpu.memref_slice %arg6[%dma_wait3A_88, %dma_wait3A_96, %dma_wait3A_97] : memref<2x128x192xf32, #tpu.memory_space<vmem>> -> memref<1x128x192xf32, #tpu.memory_space<vmem>>
      %dma_wait3A_99 = tpu.memref_squeeze %dma_wait3A_98 : memref<1x128x192xf32, #tpu.memory_space<vmem>> -> memref<128x192xf32, #tpu.memory_space<vmem>>
      %dma_wait3A_100 = arith.constant 0 : i32
      %dma_wait3A_101 = arith.constant 0 : i32
      %dma_wait3A_102 = tpu.memref_slice %arg2[%dma_wait3A_100, %dma_wait3A_101] : memref<32768x192xf32, #tpu.memory_space<hbm>> -> memref<128x192xf32, #tpu.memory_space<hbm>>
      tpu.wait_dma2 semaphore(%arg9 : memref<!tpu.dma_semaphore, #tpu.memory_space<semaphore_mem>>) src(%dma_wait3A_102 : memref<128x192xf32, #tpu.memory_space<hbm>>) dst(%dma_wait3A_99 : memref<128x192xf32, #tpu.memory_space<vmem>>)
    } else {
    }
    "tpu.region"() ({
      %run_scoped3A = tpu.sem_alloc : memref<!tpu.dma_semaphore, #tpu.memory_space<semaphore_mem>>
      %dma_start3A_88 = arith.constant 0 : i32
      %dma_start3A_89 = tpu.memref_slice %arg4[%mul3A_2, %dma_start3A_88] : memref<4096x192xf32, #tpu.memory_space<hbm>> -> memref<128x192xf32, #tpu.memory_space<hbm>>
      %dma_start3A_90 = arith.constant 0 : i32
      %dma_start3A_91 = tpu.memref_slice %arg4[%mul3A_2, %dma_start3A_90] : memref<4096x192xf32, #tpu.memory_space<hbm>> -> memref<128x192xf32, #tpu.memory_space<hbm>>
      tpu.enqueue_dma source(%arg7 : memref<128x192xf32, #tpu.memory_space<vmem>>) target(%dma_start3A_91 : memref<128x192xf32, #tpu.memory_space<hbm>>) target_semaphore(%run_scoped3A : memref<!tpu.dma_semaphore, #tpu.memory_space<semaphore_mem>>)
      %dma_wait3A_92 = arith.constant 0 : i32
      %dma_wait3A_93 = tpu.memref_slice %arg4[%mul3A_2, %dma_wait3A_92] : memref<4096x192xf32, #tpu.memory_space<hbm>> -> memref<128x192xf32, #tpu.memory_space<hbm>>
      %dma_wait3A_94 = arith.constant 0 : i32
      %dma_wait3A_95 = tpu.memref_slice %arg4[%mul3A_2, %dma_wait3A_94] : memref<4096x192xf32, #tpu.memory_space<hbm>> -> memref<128x192xf32, #tpu.memory_space<hbm>>
      tpu.wait_dma2 semaphore(%run_scoped3A : memref<!tpu.dma_semaphore, #tpu.memory_space<semaphore_mem>>) src(%arg7 : memref<128x192xf32, #tpu.memory_space<vmem>>) dst(%dma_wait3A_95 : memref<128x192xf32, #tpu.memory_space<hbm>>)
      tpu.yield
    }) : () -> ()
    return
  }
}

</mosaic_0001>

<sc_bundles>
// kernel: kernel.3.cloned.1.call-start
scs
__scs_entry_jumppad:
0x0: {  	(pc) =	sbr.rel $0x88, $3  }
0x1: {  	(tag) =	ssettag $0x0;
	lr =	simm.s32 $0x1  }
0x2: {  	[smem:$0x3F9F] =	sst lr;
	_ =	strace $0xD0000000  }
0x3: {  	_ = 	snop  }
0x4: {  	_ = 	snop  }
0x5: {  	_ = 	snop  }
0x6: {  	_ = 	snop  }
0x7: {  	_ = 	snop  }
__scs_overlays_trampoline_lowered:
0x8: {  	[smem:$0x3FAE] =	sst s0  }
0x9: {  	[smem:$0x3FAF] =	sst s1  }
0xa: {  	[smem:$0x3FB0] =	sst s2  }
0xb: {  	[smem:$0x3FB1] =	sst s3  }
0xc: {  	[smem:$0x3FB2] =	sst s4  }
0xd: {  	[smem:$0x3FB3] =	sst s5  }
0xe: {  	[smem:$0x3FB4] =	sst s6  }
0xf: {  	[smem:$0x3FB5] =	sst s7  }
0x10: {  	[smem:$0x3FB6] =	sst s8  }
0x11: {  	[smem:$0x3FB7] =	sst s9;
	s0 =	simm.s32 @!p0 $0x0  }
0x12: {  	s1 =	sld [smem:$0x3F9D];
	s0 =	simm.s32 @p0 $0x1  }
0x13: {  	[smem:$0x3FB8] =	sst s0;
	s0 =	simm.s32 @!p1 $0x0  }
0x14: {  	s2 =	sld [smem:$0x3F9C];
	s0 =	simm.s32 @p1 $0x1  }
0x15: {  	[smem:$0x3FB9] =	sst s0;
	s0 =	simm.s32 @!p2 $0x0  }
0x16: {  	s3 =	sld [smem:$0x3FDB];
	s0 =	simm.s32 @p2 $0x1  }
0x17: {  	s4 =	simm.s32 $0x1BF5;
	[smem:$0x3FBB] =	sst s0  }
0x18: {  	s0 =	sld [smem:$0x3F9E];
	_ =	swait.ge [sflag:s4], $0x0  }
0x19: {  	s7 =	sld [smem:$0x3F9F]  }
0x1a: {  	s8 =	sadd.s32 $0xFFFFE003, lr  }
0x1b: {  	s9 =	sadd.s32 $0xFFFFFEF7, lr;
	s5 =	simm.s32 $0xFFFFFFFF;
	p2 =	slt.u32 s8, $0xFFFFF086  }
0x1c: {  	p1 =	slt.u32 s9, $0xF7A;
	s5 =	simm.s32 @!p2 $0x0  }
0x1d: {  	s5 =	simm.s32 @p1 $0x1;
	p0 =	seq.s32 s7, s2  }
0x1e: {  	s7 =	smul.u32 @!p0 $0xF7A, s2;
	p2 =	seq.s32 @!p0 s5, $0x0  }
0x1f: {  	s9 =	smul.u32 $0xF7A, s1;
	s8 =	simm.s32 @!p0 $0x1BF5;
	p2 =	por !p2, p0  }
0x20: {  	[sflag:s8] =	ssyncset.s32 @!p0 $0xFFFFF086;
	s6 =	sadd.s32 @!p0 s3, s7;
	s7 =	simm.s32 @!p0 $0x108  }
0x21: {  	s3 =	sadd.s32 s3, s9;
	s6 =	sadd.s32 @!p0 $0x88, s6;
	s7 =	simm.s32 @p2 $0x1082  }
0x22: {  	[simem:s7], [sflag:s8] =	dma.local @!p0 [hbm:s6], $0xF7A  }
0x23: {  	s9 =	sor.u32 $0xD0000000, s2;
	s6 =	simm.s32 $0x108;
	_ =	swait.ge @!p0 [sflag:s8], $0x0  }
0x24: {  	s3 =	sadd.s32 $0x88, s3;
	s6 =	simm.s32 @!p1 $0x1082;
	[sflag:s4] =	ssyncset.s32 $0xFFFFF086  }
0x25: {  	[simem:s6], [sflag:s4] =	dma.local [hbm:s3], $0xF7A  }
0x26: {  	[smem:$0x3F9F] =	sst s1;
	(tag) =	ssettag s2;
	_ =	strace s9  }
0x27: {  	s1 =	sld [smem:$0x3FAF]  }
0x28: {  	s2 =	sld [smem:$0x3FB0]  }
0x29: {  	s4 =	sld [smem:$0x3FB2]  }
0x2a: {  	p0 =	seq.s32 s5, $0x0;
	s5 =	sld [smem:$0x3FB3]  }
0x2b: {  	s6 =	sld [smem:$0x3FB4]  }
0x2c: {  	s7 =	sld [smem:$0x3FB5]  }
0x2d: {  	s3 =	simm.s32 $0x108;
	s8 =	sld [smem:$0x3FB6]  }
0x2e: {  	s3 =	simm.s32 @!p0 $0x1082;
	s9 =	sld [smem:$0x3FB7]  }
0x2f: {  	lr =	sadd.s32 s0, s3;
	s0 =	sld [smem:$0x3FAE]  }
0x30: {  	s3 =	sld [smem:$0x3FB1]  }
0x31: {  	[smem:$0x3FBA] =	sst s10  }
0x32: {  	s10 =	sld [smem:$0x3FB8];
	_ =	sdelay $0x3  }
0x33: {  	p0 =	seq.s32 s10, $0x1;
	s10 =	sld [smem:$0x3FBA];
	_ =	sdelay $0x3  }
0x34: {  	[smem:$0x3FBA] =	sst s10  }
0x35: {  	s10 =	sld [smem:$0x3FB9];
	_ =	sdelay $0x3  }
0x36: {  	p1 =	seq.s32 s10, $0x1;
	s10 =	sld [smem:$0x3FBA];
	_ =	sdelay $0x3  }
0x37: {  	[smem:$0x3FBA] =	sst s10  }
0x38: {  	s10 =	sld [smem:$0x3FBB]  }
0x39: {  	_ = 	snop;
	(pc) =	sbr.ind lr, $3  }
0x3a: {  	_ = 	snop  }
0x3b: {  	_ = 	snop  }
0x3c: {  	p2 =	seq.s32 s10, $0x1;
	s10 =	sld [smem:$0x3FBA]  }
0x3d: {  	_ =	shalt  }
0x3e: {  	_ =	shalt  }
0x3f: {  	_ =	shalt  }
0x40: {  	_ =	shalt  }
0x41: {  	_ =	shalt  }
0x42: {  	_ =	shalt  }
0x43: {  	_ =	shalt  }
0x44: {  	_ =	shalt  }
0x45: {  	_ =	shalt  }
0x46: {  	_ =	shalt  }
0x47: {  	_ =	shalt  }
0x48: {  	_ =	shalt  }
0x49: {  	_ =	shalt  }
0x4a: {  	_ =	shalt  }
0x4b: {  	_ =	shalt  }
0x4c: {  	_ =	shalt  }
0x4d: {  	_ =	shalt  }
0x4e: {  	_ =	shalt  }
0x4f: {  	_ =	shalt  }
0x50: {  	_ =	shalt  }
0x51: {  	_ =	shalt  }
0x52: {  	_ =	shalt  }
0x53: {  	_ =	shalt  }
0x54: {  	_ =	shalt  }
0x55: {  	_ =	shalt  }
0x56: {  	_ =	shalt  }
0x57: {  	_ =	shalt  }
0x58: {  	_ =	shalt  }
0x59: {  	_ =	shalt  }
0x5a: {  	_ =	shalt  }
0x5b: {  	_ =	shalt  }
0x5c: {  	_ =	shalt  }
0x5d: {  	_ =	shalt  }
0x5e: {  	_ =	shalt  }
0x5f: {  	_ =	shalt  }
0x60: {  	_ =	shalt  }
0x61: {  	_ =	shalt  }
0x62: {  	_ =	shalt  }
0x63: {  	_ =	shalt  }
0x64: {  	_ =	shalt  }
0x65: {  	_ =	shalt  }
0x66: {  	_ =	shalt  }
0x67: {  	_ =	shalt  }
0x68: {  	_ =	shalt  }
0x69: {  	_ =	shalt  }
0x6a: {  	_ =	shalt  }
0x6b: {  	_ =	shalt  }
0x6c: {  	_ =	shalt  }
0x6d: {  	_ =	shalt  }
0x6e: {  	_ =	shalt  }
0x6f: {  	_ =	shalt  }
0x70: {  	_ =	shalt  }
0x71: {  	_ =	shalt  }
0x72: {  	_ =	shalt  }
0x73: {  	_ =	shalt  }
0x74: {  	_ =	shalt  }
0x75: {  	_ =	shalt  }
0x76: {  	_ =	shalt  }
0x77: {  	_ =	shalt  }
0x78: {  	_ =	shalt  }
0x79: {  	_ =	shalt  }
0x7a: {  	_ =	shalt  }
0x7b: {  	_ =	shalt  }
0x7c: {  	_ =	shalt  }
0x7d: {  	_ =	shalt  }
0x7e: {  	_ =	shalt  }
0x7f: {  	_ =	shalt  }
0x80: {  	_ =	shalt  }
0x81: {  	_ =	shalt  }
0x82: {  	_ =	shalt  }
0x83: {  	_ =	shalt  }
0x84: {  	_ =	shalt  }
0x85: {  	_ =	shalt  }
0x86: {  	_ =	shalt  }
0x87: {  	_ =	shalt  }
.Lfunc_end0:
.L_simem_size_0:
called_computation_lowered:
.L_overlay_start_0:
0x88: {  	s2 =	sld [smem:$0x3FD9]  }
0x89: {  	s3 =	sld [smem:$0x3FFE];
	_ =	sdelay $0x1  }
0x8a: {  	s1 =	srdreg.scid  }
0x8b: {  	s0 =	sand.u32 $0x1, s1  }
0x8c: {  	s17 =	sshll.u32 s0, $0xA;
	s2 =	sadd.s32 s3, s2  }
0x8d: {  	s2 =	sadd.s32 s2, s17  }
0x8e: {  	[smem:$0x3FC6] =	sst s2  }
0x8f: {  	_ = 	snop  }
0x90: {  	s2 =	sld [smem:$0x3FC8];
	(tm) =	ssettm $0x1  }
0x91: {  	s18 =	sld [smem:$0x3FFB];
	_ =	sdelay $0x3  }
0x92: {  	_ =	strace s18  }
0x93: {  	s3 =	sld [smem:$0x3FFC];
	_ =	sdelay $0x3  }
0x94: {  	_ =	strace s3  }
0x95: {  	s3 =	sld [smem:$0x3FFD];
	_ =	sdelay $0x3  }
0x96: {  	_ =	strace s3  }
0x97: {  	_ =	strace $0x8FFFFFFF  }
0x98: {  	s19 =	sld [smem:$0x3FDB];
	_ =	sdelay $0x1  }
0x99: {  	s4 =	simm.s32 $_scs_section_size  }
0x9a: {  	s5 =	simm.s32 $_size__tile_overlayer_lowered;
	s6 =	simm.s32 $_tile_overlayer_lowered  }
0x9b: {  	s22 =	simm.s32 $0x1BFF;
	s21 =	sshll.u32 s6, $0x1;
	s3 =	sadd.s32 s4, s19  }
0x9c: {  	s7 =	simm.s32 $0x0;
	s20 =	sshll.u32 s5, $0x1;
	s5 =	sadd.s32 s21, s3  }
0x9d: {  	[timem:s7], [sflag:s22] =	dma.local [hbm:s5], s20  }
0x9e: {  	_ =	swait.ge [sflag:s22], s20  }
0x9f: {  	s4 =	ssub.s32 $0x0, s20;
	[sflag:s22] =	ssyncset.done $0x0  }
0xa0: {  	[sflag:s22] =	ssyncadd.s32 s4;
	_ =	sdelay $0x1  }
0xa1: {  	s23 =	simm.s32 $0x1B8B  }
0xa2: {  	_ =	swait.ge [sflag:s23], $0x1  }
0xa3: {  	[sflag:s23] =	ssyncset.done $0x0  }
0xa4: {  	s25 =	simm.s32 $0x1B8E;
	s24 =	sld [smem:$0x3FFE];
	[sflag:s23] =	ssyncadd.s32 $0xFFFFFFFF  }
0xa5: {  	s26 =	simm.s32 $execute0_lowered;
	[smem:$0x3FD2] =	sst s25  }
0xa6: {  	s5 =	sshll.u32 s26, $0x1;
	_ =	strace $0x80000046;
	[dreg:$0x1] =	wrdreg $0xFFFFFFFF  }
0xa7: {  	s28 =	simm.s32 $_size_execute0_lowered;
	s3 =	sadd.s32 s3, s5;
	[dreg:$0x0] =	wrdreg $0x0  }
0xa8: {  	s5 =	sshll.u32 s28, $0x1;
	[dreg:$0x2] =	wrdreg s3  }
0xa9: {  	[dreg:$0x3] =	wrdreg s5  }
0xaa: {  	[dreg:$0x4] =	wrdreg $0xC0  }
0xab: {  	_ =	task [dreg:s7], $0x5FFFF  }
0xac: {  	[dreg:$0x1] =	wrdreg $0xFFFFFFFF  }
0xad: {  	[dreg:$0x0] =	wrdreg $0x60  }
0xae: {  	[dreg:$0x2] =	wrdreg s24  }
0xaf: {  	[dreg:$0x3] =	wrdreg s2  }
0xb0: {  	[dreg:$0x4] =	wrdreg $0x9  }
0xb1: {  	_ =	task.clear_ibuf [dreg:s7], $0x5FFFF;
	_ =	strace $0x90000046  }
0xb2: {  	s29 =	simm.s32 $0x9;
	_ =	strace $0x80000048  }
0xb3: {  	_ =	swait.ge [sflag:s29], $0x1  }
0xb4: {  	[sflag:s29] =	ssyncadd.s32 $0xFFFFFFFF  }
0xb5: {  	_ =	strace $0x90000048  }
0xb6: {  	_ =	sfence  }
0xb7: {  	s30 =	sld [smem:$0x0];
	_ =	sdelay $0x2  }
0xb8: {  	s31 =	sshll.u32 s1, $0xD;
	s1 =	sshrl.u32 s1, $0x2  }
0xb9: {  	s3 =	sand.u32 $0x4000, s31;
	s1 =	sadd.s32 s1, s30  }
0xba: {  	s0 =	sor.u32 s3, s0;
	s1 =	sshll.u32 s1, $0x11  }
0xbb: {  	s0 =	sor.u32 s1, s0  }
0xbc: {  	s0 =	sadd.s32 $0x8F2B, s0  }
0xbd: {  	[sflag:s0] =	ssyncadd.remote.s32 $0x1  }
0xbe: {  	_ =	sfence.sel $0xFFFF  }
0xbf: {  	[dreg:$0x0] =	wrdreg $0xFFFFFFFF;
	(pc) =	sbr.abs _section_cstart, $3  }
0xc0: {  	[dreg:$0x1] =	wrdreg $0xFFFFFFFF  }
0xc1: {  	_ =	task.clear_ibuf [dreg:s7], $0x2FFFF;
	_ =	strace $0x9FFFFFFF  }
0xc2: {  	(tm) =	ssettm $0x7FFFFFFF  }
0xc3: {  	_ =	shalt  }
tec
execute0_lowered:
.L_overlay_start_1:
0x0: {  	(tag) =	ssettag $0x1  }
0x1: {  	s5 =	rddreg [dreg:$0x0]  }
0x2: {  	s0 =	srdreg.scid;
	s2 =	rddreg [dreg:$0x1]  }
0x3: {  	s1 =	stileid.u32;
	s3 =	simm.s32 $0x0;
	s9 =	simm.s32 $0x1  }
0x4: {  	s10 =	simm.s32 $0x1080;
	s11 =	simm.s32 $0x9080;
	s12 =	simm.s32 $0x11080  }
0x5: {  	s13 =	simm.s32 $0x0;
	s6 =	sand.u32 $0x1, s0;
	s0 =	rddreg [dreg:$0x2]  }
.Ltmp0:
0x6: {  	s4 =	sshll.u32 s1, $0x8;
	s7 =	sshll.u32 s6, $0x7;
	(pc) =	sbr.rel .LBB2_1-.Ltmp0, $4  }
0x7: {  	[smem:$0x7FF] =	sst s3;
	s6 =	ssub.s32 $0x2, s6;
	s4 =	sor.u32 s7, s4  }
0x8: {  	_ =	strace $0x80000047;
	s8 =	sshrl.u32 s6, $0x1;
	s7 =	sshll.u32 s4, $0x5  }
0x9: {  	s8 =	ssub.s32 s6, s8;
	s7 =	sadd.s32 s7, s5;
	s5 =	sadd.s32 $0x400, s5  }
0xa: {  	v0 =	vmov s4;
	s6 =	sadd.s32 $0x100400, s7;
	s7 =	smax.u32 s8, $0x1;
	s8 =	simm.s32 $0x3  }
.LBB2_19:
0xb: {  	p0 =	seq.s32 s17, $0x0;
	s14 =	simm.s32 $0x2  }
0xc: {  	s14 =	simm.s32 @!p0 $0x1  }
0xd: {  	s13 =	sadd.s32 $0x1, s13;
	_ =	swait.ge [sflag:s14], $0x8000  }
0xe: {  	p0 =	sne.s32 s13, s7;
	[sflag:s14] =	ssyncset.done $0x0  }
.Ltmp1:
0xf: {  	[sflag:s14] =	ssyncadd.s32 $0xFFFF8000;
	(pc) =	sbr.rel @!p0 .LBB2_20-.Ltmp1, $4  }
0x10: {  	[hbm4b:s6+s3] =	stream.linear.scatter [tilespmem:s12], [sflag:$0x3], $0x8000, $0x38;
	[tilespmem:$0x19180] =	vst v63  }
0x11: {  	_ =	swait.ge [sflag:s8], $0x8000  }
0x12: {  	[sflag:s8] =	ssyncset.done $0x0  }
0x13: {  	[sflag:s8] =	ssyncadd.s32 $0xFFFF8000  }
.LBB2_1:
0x14: {  	[tilespmem:s3], [sflag:$0x3] =	stream.linear.gather [hbm4b:s2+s3], $0x1001, $0x38;
	[tilespmem:$0x19180] =	vst v63  }
0x15: {  	_ =	swait.ge [sflag:s8], $0x1001  }
0x16: {  	[sflag:s8] =	ssyncset.done $0x0  }
0x17: {  	[sflag:s8] =	ssyncadd.s32 $0xFFFFEFFF  }
0x18: {  	v1 =	vld [tilespmem:s4+$0x0]  }
0x19: {  	v2 =	vld [tilespmem:s4+$0x1];
	_ =	sdelay $0x4  }
0x1a: {  	v1 =	vsub.s32 v2, v1  }
0x1b: {  	v1 =	vcvt.s32.f32 v1;
	_ =	sdelay $0x1  }
0x1c: {  	v1 =	vmax.f32 v1, $1.000000000e+00  }
0x1d: {  	(erf) = vrcp.f32 v1;
	_ =	sdelay $0x8  }
0x1e: {  	v1 =	vpop (erf)  }
0x1f: {  	[tilespmem:$0x19080] =	vst v1  }
0x20: {  	v1 =	vld [tilespmem:s4+$0x10]  }
0x21: {  	v2 =	vld [tilespmem:s4+$0x11];
	_ =	sdelay $0x4  }
0x22: {  	v1 =	vsub.s32 v2, v1  }
0x23: {  	v1 =	vcvt.s32.f32 v1;
	_ =	sdelay $0x1  }
0x24: {  	v1 =	vmax.f32 v1, $1.000000000e+00  }
0x25: {  	(erf) = vrcp.f32 v1;
	_ =	sdelay $0x8  }
0x26: {  	v1 =	vpop (erf)  }
0x27: {  	[tilespmem:$0x19090] =	vst v1  }
0x28: {  	v1 =	vld [tilespmem:s4+$0x20]  }
0x29: {  	v2 =	vld [tilespmem:s4+$0x21];
	_ =	sdelay $0x4  }
0x2a: {  	v1 =	vsub.s32 v2, v1  }
0x2b: {  	v1 =	vcvt.s32.f32 v1;
	_ =	sdelay $0x1  }
0x2c: {  	v1 =	vmax.f32 v1, $1.000000000e+00  }
0x2d: {  	(erf) = vrcp.f32 v1;
	_ =	sdelay $0x8  }
0x2e: {  	v1 =	vpop (erf)  }
0x2f: {  	[tilespmem:$0x190A0] =	vst v1  }
0x30: {  	v1 =	vld [tilespmem:s4+$0x30]  }
0x31: {  	v2 =	vld [tilespmem:s4+$0x31];
	_ =	sdelay $0x4  }
0x32: {  	v1 =	vsub.s32 v2, v1  }
0x33: {  	v1 =	vcvt.s32.f32 v1;
	_ =	sdelay $0x1  }
0x34: {  	v1 =	vmax.f32 v1, $1.000000000e+00  }
0x35: {  	(erf) = vrcp.f32 v1;
	_ =	sdelay $0x8  }
0x36: {  	v1 =	vpop (erf)  }
0x37: {  	[tilespmem:$0x190B0] =	vst v1  }
0x38: {  	v1 =	vld [tilespmem:s4+$0x40]  }
0x39: {  	v2 =	vld [tilespmem:s4+$0x41];
	_ =	sdelay $0x4  }
0x3a: {  	v1 =	vsub.s32 v2, v1  }
0x3b: {  	v1 =	vcvt.s32.f32 v1;
	_ =	sdelay $0x1  }
0x3c: {  	v1 =	vmax.f32 v1, $1.000000000e+00  }
0x3d: {  	(erf) = vrcp.f32 v1;
	_ =	sdelay $0x8  }
0x3e: {  	v1 =	vpop (erf)  }
0x3f: {  	[tilespmem:$0x190C0] =	vst v1  }
0x40: {  	v1 =	vld [tilespmem:s4+$0x50]  }
0x41: {  	v2 =	vld [tilespmem:s4+$0x51];
	_ =	sdelay $0x4  }
0x42: {  	v1 =	vsub.s32 v2, v1  }
0x43: {  	v1 =	vcvt.s32.f32 v1;
	_ =	sdelay $0x1  }
0x44: {  	v1 =	vmax.f32 v1, $1.000000000e+00  }
0x45: {  	(erf) = vrcp.f32 v1;
	_ =	sdelay $0x8  }
0x46: {  	v1 =	vpop (erf)  }
0x47: {  	[tilespmem:$0x190D0] =	vst v1  }
0x48: {  	v1 =	vld [tilespmem:s4+$0x60]  }
0x49: {  	v2 =	vld [tilespmem:s4+$0x61];
	_ =	sdelay $0x4  }
0x4a: {  	v1 =	vsub.s32 v2, v1  }
0x4b: {  	v1 =	vcvt.s32.f32 v1;
	_ =	sdelay $0x1  }
0x4c: {  	v1 =	vmax.f32 v1, $1.000000000e+00  }
0x4d: {  	(erf) = vrcp.f32 v1;
	_ =	sdelay $0x8  }
0x4e: {  	v1 =	vpop (erf)  }
0x4f: {  	[tilespmem:$0x190E0] =	vst v1  }
0x50: {  	v1 =	vld [tilespmem:s4+$0x70]  }
0x51: {  	v2 =	vld [tilespmem:s4+$0x71];
	_ =	sdelay $0x4  }
0x52: {  	v1 =	vsub.s32 v2, v1  }
0x53: {  	v1 =	vcvt.s32.f32 v1;
	_ =	sdelay $0x1  }
0x54: {  	v1 =	vmax.f32 v1, $1.000000000e+00  }
0x55: {  	(erf) = vrcp.f32 v1;
	_ =	sdelay $0x8  }
0x56: {  	v1 =	vpop (erf)  }
0x57: {  	[tilespmem:$0x190F0] =	vst v1  }
0x58: {  	v1 =	vld [tilespmem:s4+$0x0];
	_ =	sdelay $0x4  }
0x59: {  	(v2sf) =	vpush v1, $0x0;
	_ =	sdelay $0xe  }
0x5a: {  	s14 =	spop (v2sf)  }
0x5b: {  	s15 =	sand.u32 $0x7, s14  }
0x5c: {  	s16 =	sshra.s32 s14, $0x1F;
	p0 =	slt.s32 s14, $0x1;
	p1 =	sne.s32 s15, $0x0  }
0x5d: {  	s31 =	sshrl.u32 s16, $0x1D;
	p0 =	por !p0, !p1  }
0x5e: {  	s16 =	simm.s32 $0x1;
	s15 =	sadd.s32 s31, s14;
	p0 =	por !p0, !p0  }
0x5f: {  	s15 =	sshrl.u32 s15, $0x3;
	s16 =	simm.s32 @!p0 $0x0  }
0x60: {  	s15 =	ssub.s32 s15, s16  }
0x61: {  	s16 =	sshll.u32 s15, $0x3  }
0x62: {  	p0 =	slt.s32 s16, $0x7F80;
	s15 =	smov.u32 s16  }
0x63: {  	s15 =	simm.s32 @!p0 $0x7F80;
	p0 =	slt.s32 s16, $0x7F00  }
0x64: {  	s17 =	sshll.u32 s15, $0x5;
	s16 =	simm.s32 @!p0 $0x7F00  }
0x65: {  	s17 =	sadd.s32 s5, s17;
	s16 =	sshll.u32 s16, $0x8  }
0x66: {  	[tilespmem:s10], [sflag:$0x1] =	stream.linear.gather [hbm4b:s17+s3], $0x8000, $0x38;
	[tilespmem:$0x19180] =	vst v63  }
0x67: {  	s16 =	sadd.s32 $0x8000, s16  }
0x68: {  	s16 =	sshrl.u32 s16, $0x3  }
.Ltmp2:
0x69: {  	s16 =	sadd.s32 s5, s16;
	(pc) =	sbr.rel .LBB2_2-.Ltmp2, $4  }
0x6a: {  	[tilespmem:s11], [sflag:$0x2] =	stream.linear.gather [hbm4b:s16+s3], $0x8000, $0x38;
	[tilespmem:$0x19180] =	vst v63  }
0x6b: {  	_ =	swait.ge [sflag:s9], $0x8000  }
0x6c: {  	[sflag:s9] =	ssyncset.done $0x0  }
0x6d: {  	s17 =	simm.s32 $0x0;
	s16 =	simm.s32 $0x0;
	[sflag:s9] =	ssyncadd.s32 $0xFFFF8000  }
.LBB2_18:
0x6e: {  	v13 =	vld.msk [tilespmem:s16+$0x19080 ss:$0x0], $0xffff;
	_ =	sdelay $0x3  }
0x6f: {  	s18 =	sshll.u32 s16, $0x8;
	s19 =	sshll.u32 s16, $0x7  }
0x70: {  	s18 =	sand.u32 $0x7800, s18;
	s19 =	sand.u32 $0x380, s19;
	v4 =	vmul.f32 v13, v4  }
0x71: {  	s18 =	sor.u32 s19, s18;
	v1 =	vmul.f32 v13, v1  }
0x72: {  	s19 =	sadd.s32 $0x11080, s18;
	v3 =	vmul.f32 v13, v3;
	[tilespmem:s18+$0x11080] =	vst v4  }
0x73: {  	v2 =	vmul.f32 v13, v2;
	[tilespmem:s19+$0x430] =	vst v1  }
0x74: {  	[tilespmem:s19+$0x10] =	vst v3;
	v3 =	vmul.f32 v13, v5  }
0x75: {  	[tilespmem:s19+$0x20] =	vst v2;
	v2 =	vmul.f32 v13, v6  }
0x76: {  	[tilespmem:s19+$0x30] =	vst v3;
	v3 =	vmul.f32 v13, v8  }
0x77: {  	s16 =	sadd.s32 $0x1, s16;
	[tilespmem:s19+$0x40] =	vst v2;
	v2 =	vmul.f32 v13, v9  }
0x78: {  	p0 =	sne.s32 s16, $0x80;
	[tilespmem:s19+$0x50] =	vst v3;
	v3 =	vmul.f32 v13, v12  }
.Ltmp3:
0x79: {  	[tilespmem:s19+$0x60] =	vst v2;
	v2 =	vmul.f32 v13, v11;
	(pc) =	sbr.rel @!p0 .LBB2_19-.Ltmp3, $4  }
0x7a: {  	[tilespmem:s19+$0x70] =	vst v3;
	v3 =	vmul.f32 v13, v10  }
0x7b: {  	[tilespmem:s19+$0x400] =	vst v2;
	v2 =	vmul.f32 v13, v7  }
0x7c: {  	[tilespmem:s19+$0x410] =	vst v3  }
0x7d: {  	[tilespmem:s19+$0x420] =	vst v2  }
.LBB2_2:
0x7e: {  	_ =	sdelay $0x3  }
0x7f: {  	v1 =	vld.idx.msk [tilespmem:v0+s16+$0x1 ss:$0x1], $0xffff;
	_ =	sdelay $0x4  }
0x80: {  	(v2sf) =	vpush v1, $0x0;
	_ =	sdelay $0xe  }
0x81: {  	s19 =	smov.u32 s14;
	s18 =	sadd.s32 $0x80, s15;
	s14 =	spop (v2sf)  }
0x82: {  	s20 =	smov.u32 s15;
	p1 =	sgt.s32 s19, s15;
	p0 =	slt.s32 s14, s18  }
0x83: {  	s20 =	smov.u32 @p1 s19;
	s18 =	smov.u32 @p0 s14  }
0x84: {  	p0 =	sle.s32 s18, s20  }
.Ltmp4:
0x85: {  	_ = 	snop;
	(pc) =	sbr.rel @p0 .LBB2_9-.Ltmp4, $4  }
0x86: {  	v4 =	vimm.f32 $0.0e+00;
	v3 =	vimm.f32 $0.0e+00;
	v2 =	vimm.f32 $0.0e+00  }
0x87: {  	v5 =	vimm.f32 $0.0e+00;
	v6 =	vimm.f32 $0.0e+00;
	v8 =	vimm.f32 $0.0e+00  }
0x88: {  	v9 =	vimm.f32 $0.0e+00;
	v12 =	vimm.f32 $0.0e+00;
	v11 =	vimm.f32 $0.0e+00  }
0x89: {  	v10 =	vimm.f32 $0.0e+00;
	v7 =	vimm.f32 $0.0e+00;
	v1 =	vimm.f32 $0.0e+00  }
0x8a: {  	s21 =	ssub.s32 s18, s20  }
0x8b: {  	p1 =	seq.s32 s21, $0x1  }
.Ltmp5:
0x8c: {  	_ = 	snop;
	(pc) =	sbr.rel @p1 .LBB2_4-.Ltmp5, $4  }
0x8d: {  	s19 =	sshll.u32 s17, $0xF;
	s22 =	sshll.u32 s20, $0x7;
	s23 =	sshll.u32 s15, $0x7  }
0x8e: {  	s24 =	sshll.u32 s20, $0x8;
	s25 =	sshll.u32 s15, $0x8;
	p0 =	por $0x0, $0x0  }
0x8f: {  	s19 =	sand.u32 $0x3FFF8000, s19;
	s20 =	ssub.s32 s22, s23;
	s22 =	ssub.s32 s24, s25  }
0x90: {  	v7 =	vimm.f32 $0.0e+00;
	s24 =	sadd.s32 $0xFFFFFFFF, s21;
	s19 =	sor.u32 $0x1080, s19;
	s23 =	sand.u32 $0xFFFFF800, s22  }
0x91: {  	s21 =	sand.u32 $0x380, s20;
	s23 =	sadd.s32 s23, s19  }
0x92: {  	s21 =	sadd.s32 s21, s23  }
0x93: {  	v1 =	vld [tilespmem:s21+$0x430]  }
0x94: {  	v2 =	vld [tilespmem:s21+$0x0]  }
0x95: {  	v3 =	vld [tilespmem:s21+$0x10]  }
0x96: {  	v4 =	vld [tilespmem:s21+$0x20]  }
0x97: {  	p1 =	seq.s32 s24, $0x1;
	v6 =	vld [tilespmem:s21+$0x30]  }
.Ltmp6:
0x98: {  	v14 =	vld [tilespmem:s21+$0x40];
	(pc) =	sbr.rel @p1 .LBB2_6-.Ltmp6, $4  }
0x99: {  	v8 =	vimm.f32 $0.0e+00;
	v9 =	vimm.f32 $0.0e+00;
	v10 =	vimm.f32 $0.0e+00;
	v15 =	vld [tilespmem:s21+$0x50]  }
0x9a: {  	v11 =	vimm.f32 $0.0e+00;
	v12 =	vimm.f32 $0.0e+00;
	v16 =	vld [tilespmem:s21+$0x60];
	v1 =	vadd.f32 v1, v7  }
0x9b: {  	s22 =	sadd.s32 $0x100, s22;
	s24 =	sadd.s32 $0xFFFFFFFF, s24;
	v13 =	vimm.f32 $0.0e+00;
	v17 =	vld [tilespmem:s21+$0x70];
	v2 =	vadd.f32 v2, v7;
	v3 =	vadd.f32 v3, v7  }
0x9c: {  	s20 =	sadd.s32 $0x80, s20;
	p0 =	por $0x1, $0x1;
	s23 =	sand.u32 $0xFFFFF800, s22;
	v18 =	vld [tilespmem:s21+$0x400];
	v5 =	vadd.f32 v4, v7;
	v6 =	vadd.f32 v6, v7;
	v4 =	vimm.f32 $0.0e+00  }
.LBB2_7:
0x9d: {  	p1 =	seq.s32 s24, $0x1;
	s25 =	sand.u32 $0x380, s20;
	s23 =	sadd.s32 s23, s19;
	v4 =	vadd.f32 v14, v4;
	v14 =	vld [tilespmem:s21+$0x410]  }
0x9e: {  	v8 =	vadd.f32 v15, v8;
	v15 =	vld [tilespmem:s21+$0x420];
	s21 =	sadd.s32 s25, s23  }
0x9f: {  	v19 =	vld [tilespmem:s21+$0x430];
	v9 =	vadd.f32 v16, v9  }
0xa0: {  	v16 =	vld [tilespmem:s21+$0x0];
	v10 =	vadd.f32 v17, v10  }
0xa1: {  	v17 =	vld [tilespmem:s21+$0x10];
	v11 =	vadd.f32 v18, v11  }
0xa2: {  	v18 =	vld [tilespmem:s21+$0x20];
	v12 =	vadd.f32 v14, v12  }
0xa3: {  	v20 =	vld [tilespmem:s21+$0x30];
	v13 =	vadd.f32 v15, v13  }
.Ltmp7:
0xa4: {  	v14 =	vld [tilespmem:s21+$0x40];
	v1 =	vadd.f32 v19, v1;
	(pc) =	sbr.rel @!p1 .LBB2_7-.Ltmp7, $4  }
0xa5: {  	v2 =	vadd.f32 v16, v2;
	v15 =	vld [tilespmem:s21+$0x50]  }
0xa6: {  	v3 =	vadd.f32 v17, v3;
	v16 =	vld [tilespmem:s21+$0x60]  }
0xa7: {  	s22 =	sadd.s32 $0x100, s22;
	v5 =	vadd.f32 v18, v5;
	v17 =	vld [tilespmem:s21+$0x70]  }
0xa8: {  	s24 =	sadd.s32 $0xFFFFFFFF, s24;
	s20 =	sadd.s32 $0x80, s20;
	s23 =	sand.u32 $0xFFFFF800, s22;
	v6 =	vadd.f32 v20, v6;
	v18 =	vld [tilespmem:s21+$0x400]  }
.LBB2_8:
0xa9: {  	s20 =	sand.u32 $0x380, s20;
	s19 =	sadd.s32 s23, s19;
	v19 =	vld @p0 [tilespmem:s21+$0x410]  }
0xaa: {  	v20 =	vld @p0 [tilespmem:s21+$0x420];
	s19 =	sadd.s32 s20, s19  }
0xab: {  	v21 =	vld [tilespmem:s19+$0x430]  }
0xac: {  	v22 =	vld [tilespmem:s19+$0x0]  }
0xad: {  	v23 =	vld [tilespmem:s19+$0x10]  }
0xae: {  	v24 =	vld [tilespmem:s19+$0x20]  }
0xaf: {  	v25 =	vld [tilespmem:s19+$0x30]  }
0xb0: {  	v26 =	vld [tilespmem:s19+$0x40]  }
0xb1: {  	v27 =	vld [tilespmem:s19+$0x50]  }
0xb2: {  	v14 =	vadd.f32 @p0 v14, v4;
	v8 =	vadd.f32 @p0 v15, v8;
	v15 =	vld [tilespmem:s19+$0x60]  }
0xb3: {  	v9 =	vadd.f32 @p0 v16, v9;
	v60 =	vld [tilespmem:s19+$0x70]  }
0xb4: {  	v61 =	vld [tilespmem:s19+$0x400];
	v14 =	vpsel p0, v14, v7;
	v10 =	vadd.f32 @p0 v17, v10;
	v11 =	vadd.f32 @p0 v18, v11  }
0xb5: {  	v62 =	vld [tilespmem:s19+$0x410];
	v8 =	vpsel p0, v8, v7;
	v12 =	vadd.f32 @p0 v19, v12;
	v13 =	vadd.f32 @p0 v20, v13  }
0xb6: {  	v63 =	vld [tilespmem:s19+$0x420];
	v9 =	vpsel p0, v9, v7;
	v1 =	vadd.f32 v21, v1;
	v4 =	vadd.f32 v22, v2  }
0xb7: {  	v10 =	vpsel p0, v10, v7;
	v3 =	vadd.f32 v23, v3;
	v2 =	vadd.f32 v24, v5  }
0xb8: {  	v11 =	vpsel p0, v11, v7;
	v5 =	vadd.f32 v25, v6;
	v6 =	vadd.f32 v26, v14  }
0xb9: {  	v14 =	vpsel p0, v12, v7;
	v8 =	vadd.f32 v27, v8;
	v9 =	vadd.f32 v15, v9  }
0xba: {  	v7 =	vpsel p0, v13, v7;
	v12 =	vadd.f32 v60, v10;
	v11 =	vadd.f32 v61, v11  }
0xbb: {  	v10 =	vadd.f32 v62, v14;
	v7 =	vadd.f32 v63, v7  }
.LBB2_9:
0xbc: {  	s19 =	sxor.u32 $0xFFFFFFFF, s15  }
0xbd: {  	s19 =	sadd.s32 s19, s14  }
0xbe: {  	s20 =	sand.u32 $0x7F, s19  }
0xbf: {  	s31 =	sshra.s32 s19, $0x1F;
	p1 =	slt.s32 s19, $0x1;
	p0 =	sne.s32 s20, $0x0  }
0xc0: {  	s20 =	sshrl.u32 s31, $0x19;
	p0 =	por !p1, !p0  }
0xc1: {  	s19 =	sadd.s32 s20, s19;
	s20 =	simm.s32 $0x1;
	p0 =	por !p0, !p0  }
0xc2: {  	s19 =	sshra.s32 s19, $0x7;
	s20 =	simm.s32 @!p0 $0x0  }
0xc3: {  	s19 =	ssub.s32 s19, s20  }
0xc4: {  	p0 =	sgt.s32 s19, $0x0  }
.Ltmp8:
0xc5: {  	_ = 	snop;
	(pc) =	sbr.rel @p0 .LBB2_10-.Ltmp8, $4  }
.Ltmp9:
0xc6: {  	_ = 	snop;
	(pc) =	sbr.rel @!p0 .LBB2_18-.Ltmp9, $4  }
0xc7: {  	_ = 	snop  }
0xc8: {  	_ = 	snop  }
0xc9: {  	s20 =	simm.s32 $0x0  }
0xca: {  	_ = 	snop  }
.LBB2_12:
0xcb: {  	v13 =	vmov v6;
	v14 =	vmov v8  }
0xcc: {  	v16 =	vmovc v9;
	v17 =	vmovc v12;
	v20 =	vmov v11;
	v21 =	vmov v10;
	v22 =	vmov v7  }
.LBB2_16:
0xcd: {  	s18 =	sand.u32 $0x380, s18;
	s22 =	sadd.s32 s26, s22;
	v25 =	vld @p0 [tilespmem:s23+$0x410]  }
0xce: {  	v26 =	vld @p0 [tilespmem:s23+$0x420];
	s18 =	sadd.s32 s18, s22  }
0xcf: {  	v27 =	vld [tilespmem:s18+$0x430]  }
0xd0: {  	v28 =	vld [tilespmem:s18+$0x0]  }
0xd1: {  	v29 =	vld [tilespmem:s18+$0x10]  }
0xd2: {  	v30 =	vld [tilespmem:s18+$0x20]  }
0xd3: {  	v31 =	vld [tilespmem:s18+$0x30]  }
0xd4: {  	v32 =	vld [tilespmem:s18+$0x40]  }
0xd5: {  	v13 =	vadd.f32 @p0 v15, v13;
	v15 =	vld [tilespmem:s18+$0x50]  }
0xd6: {  	v59 =	vld [tilespmem:s18+$0x60]  }
0xd7: {  	v14 =	vadd.f32 @p0 v18, v14;
	v16 =	vadd.f32 @p0 v19, v16;
	v60 =	vld [tilespmem:s18+$0x70]  }
0xd8: {  	v17 =	vadd.f32 @p0 v23, v17;
	v19 =	vadd.f32 @p0 v24, v20;
	v61 =	vld [tilespmem:s18+$0x400];
	v6 =	vpsel p0, v13, v6  }
0xd9: {  	v62 =	vld [tilespmem:s18+$0x410];
	v8 =	vpsel p0, v14, v8;
	v20 =	vadd.f32 @p0 v25, v21;
	v22 =	vadd.f32 @p0 v26, v22  }
0xda: {  	v63 =	vld [tilespmem:s18+$0x420];
	v9 =	vpsel p0, v16, v9;
	v1 =	vadd.f32 v27, v1;
	v4 =	vadd.f32 v28, v4  }
0xdb: {  	v12 =	vpsel p0, v17, v12;
	v3 =	vadd.f32 v29, v3;
	v2 =	vadd.f32 v30, v2  }
0xdc: {  	v11 =	vpsel p0, v19, v11;
	v5 =	vadd.f32 v31, v5;
	v6 =	vadd.f32 v32, v6  }
0xdd: {  	v10 =	vpsel p0, v20, v10;
	v8 =	vadd.f32 v15, v8;
	v9 =	vadd.f32 v59, v9  }
0xde: {  	v7 =	vpsel p0, v22, v7;
	v12 =	vadd.f32 v60, v12;
	v11 =	vadd.f32 v61, v11  }
0xdf: {  	v10 =	vadd.f32 v62, v10;
	v7 =	vadd.f32 v63, v7  }
.LBB2_17:
0xe0: {  	s20 =	sadd.s32 $0x1, s20  }
0xe1: {  	p0 =	sne.s32 s20, s19  }
.Ltmp10:
0xe2: {  	_ = 	snop;
	(pc) =	sbr.rel @!p0 .LBB2_18-.Ltmp10, $2  }
0xe3: {  	_ =	sdelay $0x2  }
0xe4: {  	s15 =	sadd.s32 $0x80, s15;
	s18 =	smov.u32 s21  }
.LBB2_10:
0xe5: {  	p0 =	slt.s32 s15, $0x7F00  }
0xe6: {  	s15 =	simm.s32 @!p0 $0x7F00  }
0xe7: {  	s21 =	sadd.s32 $0x100, s15  }
0xe8: {  	p0 =	slt.s32 s21, $0x7F80;
	s22 =	smov.u32 s21  }
0xe9: {  	s22 =	simm.s32 @!p0 $0x7F80;
	p0 =	sne.s32 s17, $0x1  }
0xea: {  	s23 =	simm.s32 @p0 $0x2  }
0xeb: {  	s22 =	sshll.u32 s22, $0x5;
	_ =	swait.ge @p0 [sflag:s23], $0x8000  }
0xec: {  	s24 =	simm.s32 @p0 $0x1080;
	s22 =	sand.u32 $0xFFFFF00, s22;
	[sflag:s23] =	ssyncset.done @p0 $0x0  }
0xed: {  	s22 =	sadd.s32 s5, s22;
	[sflag:s23] =	ssyncadd.s32 @p0 $0xFFFF8000;
	s23 =	simm.s32 @p0 $0x0  }
0xee: {  	[tilespmem:s24], [sflag:$0x1] =	stream.linear.gather @p0 [hbm4b:s22+s23], $0x8000, $0x38;
	[tilespmem:$0x19180] =	vst v63  }
0xef: {  	s23 =	simm.s32 @!p0 $0x1  }
0xf0: {  	_ =	swait.ge @!p0 [sflag:s23], $0x8000  }
0xf1: {  	[sflag:s23] =	ssyncset.done @!p0 $0x0  }
0xf2: {  	s24 =	simm.s32 @!p0 $0x9080;
	[sflag:s23] =	ssyncadd.s32 @!p0 $0xFFFF8000;
	s23 =	simm.s32 @!p0 $0x0  }
0xf3: {  	[tilespmem:s24], [sflag:$0x2] =	stream.linear.gather @!p0 [hbm4b:s22+s23], $0x8000, $0x38;
	[tilespmem:$0x19180] =	vst v63  }
0xf4: {  	p0 =	slt.s32 s14, s21  }
0xf5: {  	s21 =	smov.u32 @p0 s14  }
0xf6: {  	p0 =	sle.s32 s21, s18  }
.Ltmp11:
0xf7: {  	_ = 	snop;
	(pc) =	sbr.rel @p0 .LBB2_17-.Ltmp11, $2  }
0xf8: {  	_ =	sdelay $0x2  }
0xf9: {  	s17 =	sxor.u32 $0x1, s17  }
0xfa: {  	s25 =	ssub.s32 s21, s18  }
0xfb: {  	p1 =	sne.s32 s25, $0x1  }
.Ltmp12:
0xfc: {  	_ = 	snop;
	(pc) =	sbr.rel @!p1 .LBB2_12-.Ltmp12, $4  }
0xfd: {  	s23 =	ssub.s32 s18, s15  }
0xfe: {  	s22 =	sshll.u32 s17, $0xF;
	p0 =	por $0x0, $0x0;
	s23 =	sadd.s32 $0xFFFFFF80, s23  }
0xff: {  	s22 =	sand.u32 $0x3FFF8000, s22;
	s25 =	sadd.s32 $0xFFFFFFFF, s25;
	s24 =	sshll.u32 s23, $0x8  }
0x100: {  	s22 =	sor.u32 $0x1080, s22;
	s18 =	sshll.u32 s23, $0x7;
	s26 =	sand.u32 $0xFFFFF800, s24  }
0x101: {  	s23 =	sand.u32 $0x380, s18;
	s26 =	sadd.s32 s26, s22  }
0x102: {  	s23 =	sadd.s32 s23, s26  }
0x103: {  	v13 =	vld [tilespmem:s23+$0x430]  }
0x104: {  	v14 =	vld [tilespmem:s23+$0x0]  }
0x105: {  	v16 =	vld [tilespmem:s23+$0x10]  }
0x106: {  	v17 =	vld [tilespmem:s23+$0x20]  }
0x107: {  	v20 =	vld [tilespmem:s23+$0x30]  }
0x108: {  	p1 =	sne.s32 s25, $0x1  }
.Ltmp13:
0x109: {  	v15 =	vld [tilespmem:s23+$0x40];
	(pc) =	sbr.rel @!p1 .LBB2_14-.Ltmp13, $4  }
0x10a: {  	v18 =	vld [tilespmem:s23+$0x50];
	v1 =	vadd.f32 v13, v1  }
0x10b: {  	v19 =	vld [tilespmem:s23+$0x60];
	v4 =	vadd.f32 v14, v4;
	v3 =	vadd.f32 v16, v3  }
0x10c: {  	s24 =	sadd.s32 $0x100, s24;
	s25 =	sadd.s32 $0xFFFFFFFF, s25;
	v21 =	vmovc v10;
	v22 =	vmov v7;
	v23 =	vld [tilespmem:s23+$0x70];
	v2 =	vadd.f32 v17, v2;
	v5 =	vadd.f32 v20, v5  }
0x10d: {  	s18 =	sadd.s32 $0x80, s18;
	p0 =	por $0x1, $0x1;
	s26 =	sand.u32 $0xFFFFF800, s24;
	v24 =	vld [tilespmem:s23+$0x400];
	v13 =	vmovc v6;
	v14 =	vmovc v8;
	v16 =	vmov v9;
	v17 =	vmov v12;
	v20 =	vmov v11  }
.LBB2_15:
0x10e: {  	p1 =	sne.s32 s25, $0x1;
	s28 =	sand.u32 $0x380, s18;
	s26 =	sadd.s32 s26, s22;
	v13 =	vadd.f32 v15, v13;
	v15 =	vld [tilespmem:s23+$0x410]  }
0x10f: {  	v14 =	vadd.f32 v18, v14;
	v18 =	vld [tilespmem:s23+$0x420];
	s23 =	sadd.s32 s28, s26  }
0x110: {  	v16 =	vadd.f32 v19, v16;
	v25 =	vld [tilespmem:s23+$0x430]  }
0x111: {  	v17 =	vadd.f32 v23, v17;
	v19 =	vld [tilespmem:s23+$0x0]  }
0x112: {  	v20 =	vadd.f32 v24, v20;
	v23 =	vld [tilespmem:s23+$0x10]  }
0x113: {  	v24 =	vld [tilespmem:s23+$0x20];
	v21 =	vadd.f32 v15, v21  }
0x114: {  	v26 =	vld [tilespmem:s23+$0x30];
	v22 =	vadd.f32 v18, v22  }
.Ltmp14:
0x115: {  	v15 =	vld [tilespmem:s23+$0x40];
	v1 =	vadd.f32 v25, v1;
	(pc) =	sbr.rel @p1 .LBB2_15-.Ltmp14, $4  }
0x116: {  	v4 =	vadd.f32 v19, v4;
	v18 =	vld [tilespmem:s23+$0x50]  }
0x117: {  	v3 =	vadd.f32 v23, v3;
	v19 =	vld [tilespmem:s23+$0x60]  }
0x118: {  	s24 =	sadd.s32 $0x100, s24;
	v2 =	vadd.f32 v24, v2;
	v23 =	vld [tilespmem:s23+$0x70]  }
0x119: {  	s25 =	sadd.s32 $0xFFFFFFFF, s25;
	s18 =	sadd.s32 $0x80, s18;
	s26 =	sand.u32 $0xFFFFF800, s24;
	v5 =	vadd.f32 v26, v5;
	v24 =	vld [tilespmem:s23+$0x400]  }
.Ltmp15:
0x11a: {  	_ = 	snop;
	(pc) =	sbr.rel .LBB2_16-.Ltmp15, $1  }
0x11b: {  	_ =	sdelay $0x3  }
.LBB2_14:
.Ltmp16:
0x11c: {  	(pc) =	sbr.rel .LBB2_16-.Ltmp16, $3  }
0x11d: {  	_ =	sdelay $0x1  }
0x11e: {  	v13 =	vmov v6;
	v14 =	vmov v8  }
0x11f: {  	v16 =	vmovc v9;
	v17 =	vmovc v12;
	v20 =	vmov v11;
	v21 =	vmov v10;
	v22 =	vmov v7  }
.LBB2_4:
.Ltmp17:
0x120: {  	(pc) =	sbr.rel .LBB2_8-.Ltmp17, $4  }
0x121: {  	v4 =	vimm.f32 $0.0e+00;
	v8 =	vimm.f32 $0.0e+00;
	v9 =	vimm.f32 $0.0e+00  }
0x122: {  	v10 =	vimm.f32 $0.0e+00;
	v11 =	vimm.f32 $0.0e+00;
	v12 =	vimm.f32 $0.0e+00  }
0x123: {  	v13 =	vimm.f32 $0.0e+00;
	v1 =	vimm.f32 $0.0e+00;
	v2 =	vimm.f32 $0.0e+00  }
0x124: {  	v3 =	vimm.f32 $0.0e+00;
	v5 =	vimm.f32 $0.0e+00;
	v6 =	vimm.f32 $0.0e+00  }
.LBB2_6:
.Ltmp18:
0x125: {  	(pc) =	sbr.rel .LBB2_8-.Ltmp18, $4  }
0x126: {  	_ = 	snop  }
0x127: {  	v4 =	vimm.f32 $0.0e+00  }
0x128: {  	v8 =	vimm.f32 $0.0e+00;
	v9 =	vimm.f32 $0.0e+00;
	v10 =	vimm.f32 $0.0e+00  }
0x129: {  	v11 =	vimm.f32 $0.0e+00;
	v12 =	vimm.f32 $0.0e+00;
	v13 =	vimm.f32 $0.0e+00  }
.LBB2_20:
0x12a: {  	_ =	sfence.sel $0x180000  }
0x12b: {  	[bflag:$0x0] =	sbarrier.arrive $0xFFFF  }
0x12c: {  	p0 =	sne.s32 s1, $0x0;
	_ =	strace $0x90000047  }
0x12d: {  	s0 =	sadd.s32 @!p0 $0x100000, s0;
	[bflag:$0x2] =	sbarrier.arrive $0xFFFF  }
0x12e: {  	[sflag:s0] =	ssyncadd.tile.s32 @!p0 $0x1;
	_ =	shalt  }
.Lfunc_end2:
_tile_overlayer_lowered:
.L_overlay_start_2:
0x12f: {  	(tag) =	ssettag $0x2  }
0x130: {  	s0 =	rddreg [dreg:$0x0];
	s2 =	stileid.u32  }
0x131: {  	s1 =	rddreg [dreg:$0x1];
	p0 =	sne.s32 s2, $0x0  }
0x132: {  	s3 =	rddreg [dreg:$0x2];
	[bflag:$0x3] =	sbarrier.arrive $0xFFFF;
	s2 =	simm.s32 @!p0 $0x1C03  }
0x133: {  	[timem:s3], [sflag:s2] =	dma.local @!p0 [hbm:s0], s1  }
0x134: {  	s0 =	simm.s32 @!p0 $0x3  }
0x135: {  	_ =	swait.ge @!p0 [sflag:s0], s1  }
0x136: {  	s1 =	ssub.s32 @!p0 $0x0, s1;
	[sflag:s0] =	ssyncset.done @!p0 $0x0  }
0x137: {  	[sflag:s0] =	ssyncadd.s32 @!p0 s1  }
0x138: {  	[bflag:$0x3] =	sbarrier.arrive $0xFFFF  }
0x139: {  	_ =	shalt  }

</sc_bundles>
